<compile_context>
chip_gen: v7x
topology: tpu7x:2x2x1
jax: 0.10.2.dev20260603
libtpu: 0.0.44.dev20260713+nightly
codegen_flags: <defaults>
</compile_context>

<pallas_src>
import jax
import jax.numpy as jnp
from jax import lax
from jax.experimental import pallas as pl
from jax.experimental.pallas import tpu as pltpu
from jax.experimental.pallas import tpu_sc as plsc

N_NODES = 10000
N_PAD = 10240
N_EDGES = 320000
CHANNEL = 128

NUM_WORKERS = 32
EDGES_PER_WORKER = N_EDGES // NUM_WORKERS
CHUNK = 80
NUM_CHUNKS = EDGES_PER_WORKER // CHUNK
GROUPS = CHUNK // 16
L = 16
ROWS_PER_SUBCORE = N_PAD // 16
UNROLL = 4


def _edge_score_kernel(x_hbm, src_hbm, dst_hbm, wb_hbm, out_hbm,
                       xsh, idx2, rows_a, rows_b, wb_v, out_v,
                       sem_idx, sem_rows_a, sem_rows_b, sem_out):
    cid = lax.axis_index("c")
    sid = lax.axis_index("s")
    wid = sid * 2 + cid
    base = wid * EDGES_PER_WORKER

    rbase = sid * ROWS_PER_SUBCORE
    pltpu.sync_copy(x_hbm.at[pl.ds(rbase, ROWS_PER_SUBCORE)],
                    xsh.at[pl.ds(rbase, ROWS_PER_SUBCORE)])
    pltpu.sync_copy(wb_hbm, wb_v)
    plsc.subcore_barrier()

    lane = lax.iota(jnp.int32, L)
    e_idx = [lane + (g * L) for g in range(GROUPS)]

    def idx_descs(j, slot):
        cbase = base + j * CHUNK
        da = pltpu.make_async_copy(
            src_hbm.at[pl.ds(cbase, CHUNK)], idx2.at[slot, 0],
            sem_idx.at[slot])
        db = pltpu.make_async_copy(
            dst_hbm.at[pl.ds(cbase, CHUNK)], idx2.at[slot, 1],
            sem_idx.at[slot])
        return da, db

    def row_descs(slot):
        da = pltpu.make_async_copy(
            x_hbm.at[idx2.at[slot, 0]], rows_a.at[slot], sem_rows_a.at[slot])
        db = pltpu.make_async_copy(
            xsh.at[idx2.at[slot, 1]], rows_b.at[slot], sem_rows_b.at[slot])
        return da, db

    def out_desc(j, slot):
        cbase = base + j * CHUNK
        return pltpu.make_async_copy(
            out_v.at[slot], out_hbm.at[pl.ds(cbase, CHUNK)],
            sem_out.at[slot])

    d0a, d0b = idx_descs(0, 0)
    d0a.start()
    d0b.start()
    d0a.wait()
    d0b.wait()
    r0a, r0b = row_descs(0)
    r0a.start()
    r0b.start()
    p1a, p1b = idx_descs(1, 1)
    p1a.start()
    p1b.start()

    def compute_chunk(j, p):
        psplat = jnp.zeros((L,), jnp.int32) + p
        zero = jnp.zeros((L,), jnp.float32)

        def chan_body(c, carry2):
            rot = carry2[0]
            accs = list(carry2[1])
            for _ in range(UNROLL):
                w_vec = plsc.load_gather(wb_v, [rot])
                for g in range(GROUPS):
                    a = plsc.load_gather(rows_a, [psplat, e_idx[g], rot])
                    b = plsc.load_gather(rows_b, [psplat, e_idx[g], rot])
                    accs[g] = accs[g] + a * b * w_vec
                rot = (rot + 1) & (CHANNEL - 1)
            return (rot, tuple(accs))

        _, accs = lax.fori_loop(
            0, CHANNEL // UNROLL, chan_body, (lane, (zero,) * GROUPS))

        bias = plsc.load_gather(wb_v, [jnp.full((L,), CHANNEL, jnp.int32)])
        for g in range(GROUPS):
            z = accs[g] + bias
            s = 1.0 / (1.0 + jnp.exp(-z))
            out_v[p, pl.ds(g * L, L)] = s

    def chunk_body(j, carry):
        p = lax.rem(j, 2)
        q = 1 - p

        @pl.when(j + 1 < NUM_CHUNKS)
        def _():
            ia, ib = idx_descs(j + 1, q)
            ia.wait()
            ib.wait()

        ra, rb = row_descs(p)
        ra.wait()
        rb.wait()

        @pl.when(j + 1 < NUM_CHUNKS)
        def _():
            na, nb = row_descs(q)
            na.start()
            nb.start()

            @pl.when(j + 2 < NUM_CHUNKS)
            def _():
                fa, fb = idx_descs(j + 2, p)
                fa.start()
                fb.start()

        @pl.when(j >= 2)
        def _():
            out_desc(j, p).wait()

        compute_chunk(j, p)
        out_desc(j, p).start()
        return carry

    lax.fori_loop(0, NUM_CHUNKS, chunk_body, 0)

    out_desc(NUM_CHUNKS - 2, (NUM_CHUNKS - 2) % 2).wait()
    out_desc(NUM_CHUNKS - 1, (NUM_CHUNKS - 1) % 2).wait()


@jax.jit
def kernel(x, edge_index, batch, W, b):
    del batch
    wb = jnp.concatenate(
        [W.reshape(-1), b.reshape(-1),
         jnp.zeros((144 - CHANNEL - 1,), jnp.float32)])
    x_pad = jnp.concatenate(
        [x, jnp.zeros((N_PAD - N_NODES, CHANNEL), jnp.float32)])

    mesh = plsc.VectorSubcoreMesh(core_axis_name="c", subcore_axis_name="s")
    run = pl.kernel(
        _edge_score_kernel,
        out_type=jax.ShapeDtypeStruct((N_EDGES,), jnp.float32),
        mesh=mesh,
        compiler_params=pltpu.CompilerParams(needs_layout_passes=False),
        scratch_types=[
            pltpu.VMEM_SHARED((N_PAD, CHANNEL), jnp.float32),
            pltpu.VMEM((2, 2, CHUNK), jnp.int32),
            pltpu.VMEM((2, CHUNK, CHANNEL), jnp.float32),
            pltpu.VMEM((2, CHUNK, CHANNEL), jnp.float32),
            pltpu.VMEM((144,), jnp.float32),
            pltpu.VMEM((2, CHUNK), jnp.float32),
            pltpu.SemaphoreType.DMA((2,)),
            pltpu.SemaphoreType.DMA((2,)),
            pltpu.SemaphoreType.DMA((2,)),
            pltpu.SemaphoreType.DMA((2,)),
        ],
    )
    return run(x_pad, edge_index[0], edge_index[1], wb)

# --- scband reference (transcript-rebuilt; emitter-appended) ---
"""Pipeline reference for scband-parsing-net-gpu-55216099557609 (READ-ONLY COPY).

The authoritative reference and input builder live on the scoring server;
editing this copy changes nothing except your own understanding.
"""

import jax, jax.numpy as jnp
import numpy as np

N_NODES = 10000
N_EDGES = 320000
CHANNEL = 128


def setup_inputs(seed: int = 0) -> dict:
    key = jax.random.key(seed)
    k1, k2, k3, k4 = jax.random.split(key, 4)
    x = jax.random.normal(k1, (N_NODES, CHANNEL), dtype=jnp.float32)
    src = jax.random.randint(k2, (N_EDGES,), 0, N_NODES, dtype=jnp.int32)
    # offset in [1, N) guarantees no self loops, so remove_self_loops is a no-op
    offset = jax.random.randint(k3, (N_EDGES,), 1, N_NODES, dtype=jnp.int32)
    dst = (src + offset) % N_NODES
    edge_index = jnp.stack([src, dst], axis=0)
    batch = jnp.zeros((N_NODES,), dtype=jnp.int32)
    # edge_net: MLP with num_layers=1 -> single Linear(channel, 1), no norm
    W = jax.random.normal(k4, (CHANNEL, 1), dtype=jnp.float32) * (1.0 / np.sqrt(CHANNEL))
    b = jnp.zeros((1,), dtype=jnp.float32)
    return {"x": x, "edge_index": edge_index, "batch": batch, "W": W, "b": b}


def reference(x, edge_index, batch, W, b):
    # remove_self_loops: inputs are constructed self-loop-free, so identity.
    # link_ignore_self_loop=True -> add_self_loops skipped.
    # dropout_adj with training=False -> identity.
    row = edge_index[0]
    col = edge_index[1]
    # gather node features at both endpoints and take elementwise product
    edge_feat = jnp.take(x, row, axis=0) * jnp.take(x, col, axis=0)
    # edge_net MLP (1 layer: Linear(channel, 1)); dropout is eval-mode identity
    edge_score = edge_feat @ W + b
    edge_score = jax.nn.sigmoid(edge_score)
    edge_score = jnp.squeeze(edge_score, axis=-1)
    return edge_score

if __name__ == "__main__":
    import jax
    _d = setup_inputs()
    print(jax.jit(kernel)(*tuple(_d.values())))

</pallas_src>

<mosaic_0001>
#map = affine_map<(d0, d1) -> (0, 0)>
#map1 = affine_map<(d0, d1) -> (0)>
module attributes {stable_mosaic.version = 14 : i64} {
  func.func @_edge_score_kernel(%arg0: i32, %arg1: i32, %arg2: memref<10240x128xf32, #tpu.memory_space<hbm>>, %arg3: memref<320000xi32, #tpu.memory_space<hbm>>, %arg4: memref<320000xi32, #tpu.memory_space<hbm>>, %arg5: memref<144xf32, #tpu.memory_space<hbm>>, %arg6: memref<320000xf32, #tpu.memory_space<hbm>>, %arg7: memref<10240x128xf32, #tpu.memory_space<vmem_shared>>, %arg8: memref<2x2x80xi32, #tpu.memory_space<vmem>>, %arg9: memref<2x80x128xf32, #tpu.memory_space<vmem>>, %arg10: memref<2x80x128xf32, #tpu.memory_space<vmem>>, %arg11: memref<144xf32, #tpu.memory_space<vmem>>, %arg12: memref<2x80xf32, #tpu.memory_space<vmem>>, %arg13: memref<2x!tpu.dma_semaphore, #tpu.memory_space<semaphore_mem>>, %arg14: memref<2x!tpu.dma_semaphore, #tpu.memory_space<semaphore_mem>>, %arg15: memref<2x!tpu.dma_semaphore, #tpu.memory_space<semaphore_mem>>, %arg16: memref<2x!tpu.dma_semaphore, #tpu.memory_space<semaphore_mem>>) attributes {dimension_semantics = [#tpu.dimension_semantics<core_parallel>, #tpu.dimension_semantics<subcore_parallel>], iteration_bounds = array<i64: 2, 16>, scalar_prefetch = 0 : i64, scratch_operands = 10 : i64, tpu.core_type = #tpu.core_type<sc_vector_subcore>, window_params = [{transform_indices = #map}, {transform_indices = #map1}, {transform_indices = #map1}, {transform_indices = #map1}, {transform_indices = #map1}]} {
    %mul3A = arith.constant 2 : i32
    %mul3A_0 = arith.muli %arg1, %mul3A : i32
    %add3A = arith.addi %mul3A_0, %arg0 : i32
    %mul3A_1 = arith.constant 10000 : i32
    %mul3A_2 = arith.muli %add3A, %mul3A_1 : i32
    %mul3A_3 = arith.constant 640 : i32
    %mul3A_4 = arith.muli %arg1, %mul3A_3 : i32
    "tpu.region"() ({
      %run_scoped3A = tpu.sem_alloc : memref<!tpu.dma_semaphore, #tpu.memory_space<semaphore_mem>>
      %dma_start3A_165 = arith.constant 0 : i32
      %dma_start3A_166 = tpu.memref_slice %arg7[%mul3A_4, %dma_start3A_165] : memref<10240x128xf32, #tpu.memory_space<vmem_shared>> -> memref<640x128xf32, #tpu.memory_space<vmem_shared>>
      %dma_start3A_167 = arith.constant 0 : i32
      %dma_start3A_168 = tpu.memref_slice %arg2[%mul3A_4, %dma_start3A_167] : memref<10240x128xf32, #tpu.memory_space<hbm>> -> memref<640x128xf32, #tpu.memory_space<hbm>>
      tpu.enqueue_dma source(%dma_start3A_168 : memref<640x128xf32, #tpu.memory_space<hbm>>) target(%dma_start3A_166 : memref<640x128xf32, #tpu.memory_space<vmem_shared>>) target_semaphore(%run_scoped3A : memref<!tpu.dma_semaphore, #tpu.memory_space<semaphore_mem>>)
      %dma_wait3A_169 = arith.constant 0 : i32
      %dma_wait3A_170 = tpu.memref_slice %arg7[%mul3A_4, %dma_wait3A_169] : memref<10240x128xf32, #tpu.memory_space<vmem_shared>> -> memref<640x128xf32, #tpu.memory_space<vmem_shared>>
      %dma_wait3A_171 = arith.constant 0 : i32
      %dma_wait3A_172 = tpu.memref_slice %arg2[%mul3A_4, %dma_wait3A_171] : memref<10240x128xf32, #tpu.memory_space<hbm>> -> memref<640x128xf32, #tpu.memory_space<hbm>>
      tpu.wait_dma2 semaphore(%run_scoped3A : memref<!tpu.dma_semaphore, #tpu.memory_space<semaphore_mem>>) src(%dma_wait3A_172 : memref<640x128xf32, #tpu.memory_space<hbm>>) dst(%dma_wait3A_170 : memref<640x128xf32, #tpu.memory_space<vmem_shared>>)
      tpu.yield
    }) : () -> ()
    "tpu.region"() ({
      %run_scoped3A = tpu.sem_alloc : memref<!tpu.dma_semaphore, #tpu.memory_space<semaphore_mem>>
      tpu.enqueue_dma source(%arg5 : memref<144xf32, #tpu.memory_space<hbm>>) target(%arg11 : memref<144xf32, #tpu.memory_space<vmem>>) target_semaphore(%run_scoped3A : memref<!tpu.dma_semaphore, #tpu.memory_space<semaphore_mem>>)
      tpu.wait_dma2 semaphore(%run_scoped3A : memref<!tpu.dma_semaphore, #tpu.memory_space<semaphore_mem>>) src(%arg5 : memref<144xf32, #tpu.memory_space<hbm>>) dst(%arg11 : memref<144xf32, #tpu.memory_space<vmem>>)
      tpu.yield
    }) : () -> ()
    %barrier3A = arith.constant 0 : index
    tpu.barrier barrier_id(%barrier3A)
    %iota3A = tpu.iota {dimensions = array<i32: 0>} : vector<16xi32>
    %add3A_5 = arith.constant 0 : i32
    %add3A_6 = vector.broadcast %add3A_5 : i32 to vector<16xi32>
    %add3A_7 = arith.addi %iota3A, %add3A_6 : vector<16xi32>
    %add3A_8 = arith.constant 16 : i32
    %add3A_9 = vector.broadcast %add3A_8 : i32 to vector<16xi32>
    %add3A_10 = arith.addi %iota3A, %add3A_9 : vector<16xi32>
    %add3A_11 = arith.constant 32 : i32
    %add3A_12 = vector.broadcast %add3A_11 : i32 to vector<16xi32>
    %add3A_13 = arith.addi %iota3A, %add3A_12 : vector<16xi32>
    %add3A_14 = arith.constant 48 : i32
    %add3A_15 = vector.broadcast %add3A_14 : i32 to vector<16xi32>
    %add3A_16 = arith.addi %iota3A, %add3A_15 : vector<16xi32>
    %add3A_17 = arith.constant 64 : i32
    %add3A_18 = vector.broadcast %add3A_17 : i32 to vector<16xi32>
    %add3A_19 = arith.addi %iota3A, %add3A_18 : vector<16xi32>
    %add3A_20 = arith.constant 0 : i32
    %add3A_21 = arith.addi %mul3A_2, %add3A_20 : i32
    %dma_start3A = arith.constant 0 : i32
    %dma_start3A_22 = arith.constant 0 : i32
    %dma_start3A_23 = arith.constant 0 : i32
    %dma_start3A_24 = arith.constant 0 : i32
    %dma_start3A_25 = tpu.memref_slice %arg8[%dma_start3A, %dma_start3A_22, %dma_start3A_24] : memref<2x2x80xi32, #tpu.memory_space<vmem>> -> memref<1x1x80xi32, #tpu.memory_space<vmem>>
    %dma_start3A_26 = tpu.memref_squeeze %dma_start3A_25 : memref<1x1x80xi32, #tpu.memory_space<vmem>> -> memref<80xi32, #tpu.memory_space<vmem>>
    %dma_start3A_27 = tpu.memref_slice %arg3[%add3A_21] : memref<320000xi32, #tpu.memory_space<hbm>> -> memref<80xi32, #tpu.memory_space<hbm>>
    %dma_start3A_28 = tpu.memref_slice %arg13[%dma_start3A_23] : memref<2x!tpu.dma_semaphore, #tpu.memory_space<semaphore_mem>> -> memref<1x!tpu.dma_semaphore, #tpu.memory_space<semaphore_mem>>
    %dma_start3A_29 = tpu.memref_squeeze %dma_start3A_28 : memref<1x!tpu.dma_semaphore, #tpu.memory_space<semaphore_mem>> -> memref<!tpu.dma_semaphore, #tpu.memory_space<semaphore_mem>>
    %dma_start3A_30 = arith.constant 0 : i32
    %dma_start3A_31 = tpu.memref_slice %arg8[%dma_start3A, %dma_start3A_22, %dma_start3A_30] : memref<2x2x80xi32, #tpu.memory_space<vmem>> -> memref<1x1x80xi32, #tpu.memory_space<vmem>>
    %dma_start3A_32 = tpu.memref_squeeze %dma_start3A_31 : memref<1x1x80xi32, #tpu.memory_space<vmem>> -> memref<80xi32, #tpu.memory_space<vmem>>
    %dma_start3A_33 = tpu.memref_slice %arg3[%add3A_21] : memref<320000xi32, #tpu.memory_space<hbm>> -> memref<80xi32, #tpu.memory_space<hbm>>
    tpu.enqueue_dma source(%dma_start3A_33 : memref<80xi32, #tpu.memory_space<hbm>>) target(%dma_start3A_32 : memref<80xi32, #tpu.memory_space<vmem>>) target_semaphore(%dma_start3A_29 : memref<!tpu.dma_semaphore, #tpu.memory_space<semaphore_mem>>)
    %dma_start3A_34 = arith.constant 0 : i32
    %dma_start3A_35 = arith.constant 1 : i32
    %dma_start3A_36 = arith.constant 0 : i32
    %dma_start3A_37 = arith.constant 0 : i32
    %dma_start3A_38 = tpu.memref_slice %arg8[%dma_start3A_34, %dma_start3A_35, %dma_start3A_37] : memref<2x2x80xi32, #tpu.memory_space<vmem>> -> memref<1x1x80xi32, #tpu.memory_space<vmem>>
    %dma_start3A_39 = tpu.memref_squeeze %dma_start3A_38 : memref<1x1x80xi32, #tpu.memory_space<vmem>> -> memref<80xi32, #tpu.memory_space<vmem>>
    %dma_start3A_40 = tpu.memref_slice %arg4[%add3A_21] : memref<320000xi32, #tpu.memory_space<hbm>> -> memref<80xi32, #tpu.memory_space<hbm>>
    %dma_start3A_41 = tpu.memref_slice %arg13[%dma_start3A_36] : memref<2x!tpu.dma_semaphore, #tpu.memory_space<semaphore_mem>> -> memref<1x!tpu.dma_semaphore, #tpu.memory_space<semaphore_mem>>
    %dma_start3A_42 = tpu.memref_squeeze %dma_start3A_41 : memref<1x!tpu.dma_semaphore, #tpu.memory_space<semaphore_mem>> -> memref<!tpu.dma_semaphore, #tpu.memory_space<semaphore_mem>>
    %dma_start3A_43 = arith.constant 0 : i32
    %dma_start3A_44 = tpu.memref_slice %arg8[%dma_start3A_34, %dma_start3A_35, %dma_start3A_43] : memref<2x2x80xi32, #tpu.memory_space<vmem>> -> memref<1x1x80xi32, #tpu.memory_space<vmem>>
    %dma_start3A_45 = tpu.memref_squeeze %dma_start3A_44 : memref<1x1x80xi32, #tpu.memory_space<vmem>> -> memref<80xi32, #tpu.memory_space<vmem>>
    %dma_start3A_46 = tpu.memref_slice %arg4[%add3A_21] : memref<320000xi32, #tpu.memory_space<hbm>> -> memref<80xi32, #tpu.memory_space<hbm>>
    tpu.enqueue_dma source(%dma_start3A_46 : memref<80xi32, #tpu.memory_space<hbm>>) target(%dma_start3A_45 : memref<80xi32, #tpu.memory_space<vmem>>) target_semaphore(%dma_start3A_42 : memref<!tpu.dma_semaphore, #tpu.memory_space<semaphore_mem>>)
    %dma_wait3A = arith.constant 0 : i32
    %dma_wait3A_47 = arith.constant 0 : i32
    %dma_wait3A_48 = arith.constant 0 : i32
    %dma_wait3A_49 = arith.constant 0 : i32
    %dma_wait3A_50 = tpu.memref_slice %arg8[%dma_wait3A, %dma_wait3A_47, %dma_wait3A_49] : memref<2x2x80xi32, #tpu.memory_space<vmem>> -> memref<1x1x80xi32, #tpu.memory_space<vmem>>
    %dma_wait3A_51 = tpu.memref_squeeze %dma_wait3A_50 : memref<1x1x80xi32, #tpu.memory_space<vmem>> -> memref<80xi32, #tpu.memory_space<vmem>>
    %dma_wait3A_52 = tpu.memref_slice %arg3[%add3A_21] : memref<320000xi32, #tpu.memory_space<hbm>> -> memref<80xi32, #tpu.memory_space<hbm>>
    %dma_wait3A_53 = tpu.memref_slice %arg13[%dma_wait3A_48] : memref<2x!tpu.dma_semaphore, #tpu.memory_space<semaphore_mem>> -> memref<1x!tpu.dma_semaphore, #tpu.memory_space<semaphore_mem>>
    %dma_wait3A_54 = tpu.memref_squeeze %dma_wait3A_53 : memref<1x!tpu.dma_semaphore, #tpu.memory_space<semaphore_mem>> -> memref<!tpu.dma_semaphore, #tpu.memory_space<semaphore_mem>>
    %dma_wait3A_55 = arith.constant 0 : i32
    %dma_wait3A_56 = tpu.memref_slice %arg8[%dma_wait3A, %dma_wait3A_47, %dma_wait3A_55] : memref<2x2x80xi32, #tpu.memory_space<vmem>> -> memref<1x1x80xi32, #tpu.memory_space<vmem>>
    %dma_wait3A_57 = tpu.memref_squeeze %dma_wait3A_56 : memref<1x1x80xi32, #tpu.memory_space<vmem>> -> memref<80xi32, #tpu.memory_space<vmem>>
    %dma_wait3A_58 = tpu.memref_slice %arg3[%add3A_21] : memref<320000xi32, #tpu.memory_space<hbm>> -> memref<80xi32, #tpu.memory_space<hbm>>
    tpu.wait_dma2 semaphore(%dma_wait3A_54 : memref<!tpu.dma_semaphore, #tpu.memory_space<semaphore_mem>>) src(%dma_wait3A_58 : memref<80xi32, #tpu.memory_space<hbm>>) dst(%dma_wait3A_57 : memref<80xi32, #tpu.memory_space<vmem>>)
    %dma_wait3A_59 = arith.constant 0 : i32
    %dma_wait3A_60 = arith.constant 1 : i32
    %dma_wait3A_61 = arith.constant 0 : i32
    %dma_wait3A_62 = arith.constant 0 : i32
    %dma_wait3A_63 = tpu.memref_slice %arg8[%dma_wait3A_59, %dma_wait3A_60, %dma_wait3A_62] : memref<2x2x80xi32, #tpu.memory_space<vmem>> -> memref<1x1x80xi32, #tpu.memory_space<vmem>>
    %dma_wait3A_64 = tpu.memref_squeeze %dma_wait3A_63 : memref<1x1x80xi32, #tpu.memory_space<vmem>> -> memref<80xi32, #tpu.memory_space<vmem>>
    %dma_wait3A_65 = tpu.memref_slice %arg4[%add3A_21] : memref<320000xi32, #tpu.memory_space<hbm>> -> memref<80xi32, #tpu.memory_space<hbm>>
    %dma_wait3A_66 = tpu.memref_slice %arg13[%dma_wait3A_61] : memref<2x!tpu.dma_semaphore, #tpu.memory_space<semaphore_mem>> -> memref<1x!tpu.dma_semaphore, #tpu.memory_space<semaphore_mem>>
    %dma_wait3A_67 = tpu.memref_squeeze %dma_wait3A_66 : memref<1x!tpu.dma_semaphore, #tpu.memory_space<semaphore_mem>> -> memref<!tpu.dma_semaphore, #tpu.memory_space<semaphore_mem>>
    %dma_wait3A_68 = arith.constant 0 : i32
    %dma_wait3A_69 = tpu.memref_slice %arg8[%dma_wait3A_59, %dma_wait3A_60, %dma_wait3A_68] : memref<2x2x80xi32, #tpu.memory_space<vmem>> -> memref<1x1x80xi32, #tpu.memory_space<vmem>>
    %dma_wait3A_70 = tpu.memref_squeeze %dma_wait3A_69 : memref<1x1x80xi32, #tpu.memory_space<vmem>> -> memref<80xi32, #tpu.memory_space<vmem>>
    %dma_wait3A_71 = tpu.memref_slice %arg4[%add3A_21] : memref<320000xi32, #tpu.memory_space<hbm>> -> memref<80xi32, #tpu.memory_space<hbm>>
    tpu.wait_dma2 semaphore(%dma_wait3A_67 : memref<!tpu.dma_semaphore, #tpu.memory_space<semaphore_mem>>) src(%dma_wait3A_71 : memref<80xi32, #tpu.memory_space<hbm>>) dst(%dma_wait3A_70 : memref<80xi32, #tpu.memory_space<vmem>>)
    %dma_start3A_72 = arith.constant 0 : i32
    %dma_start3A_73 = arith.constant 0 : i32
    %dma_start3A_74 = arith.constant 0 : i32
    %dma_start3A_75 = arith.constant 0 : i32
    %dma_start3A_76 = arith.constant 0 : i32
    %dma_start3A_77 = arith.constant 0 : i32
    %dma_start3A_78 = tpu.memref_slice %arg9[%dma_start3A_74, %dma_start3A_76, %dma_start3A_77] : memref<2x80x128xf32, #tpu.memory_space<vmem>> -> memref<1x80x128xf32, #tpu.memory_space<vmem>>
    %dma_start3A_79 = tpu.memref_squeeze %dma_start3A_78 : memref<1x80x128xf32, #tpu.memory_space<vmem>> -> memref<80x128xf32, #tpu.memory_space<vmem>>
    %dma_start3A_80 = arith.constant 0 : i32
    %dma_start3A_81 = tpu.memref_slice %arg8[%dma_start3A_72, %dma_start3A_73, %dma_start3A_80] : memref<2x2x80xi32, #tpu.memory_space<vmem>> -> memref<1x1x80xi32, #tpu.memory_space<vmem>>
    %dma_start3A_82 = tpu.memref_squeeze %dma_start3A_81 : memref<1x1x80xi32, #tpu.memory_space<vmem>> -> memref<80xi32, #tpu.memory_space<vmem>>
    %dma_start3A_83 = arith.constant 0 : i32
    %dma_start3A_84 = arith.constant 0 : i32
    %dma_start3A_85 = tpu.memref_slice %arg2[%dma_start3A_83, %dma_start3A_84] : memref<10240x128xf32, #tpu.memory_space<hbm>> -> memref<10240x128xf32, #tpu.memory_space<hbm>>
    %dma_start3A_86 = tpu.memref_slice %arg14[%dma_start3A_75] : memref<2x!tpu.dma_semaphore, #tpu.memory_space<semaphore_mem>> -> memref<1x!tpu.dma_semaphore, #tpu.memory_space<semaphore_mem>>
    %dma_start3A_87 = tpu.memref_squeeze %dma_start3A_86 : memref<1x!tpu.dma_semaphore, #tpu.memory_space<semaphore_mem>> -> memref<!tpu.dma_semaphore, #tpu.memory_space<semaphore_mem>>
    tpu.enqueue_indirect_dma source(%dma_start3A_85 : memref<10240x128xf32, #tpu.memory_space<hbm>>) target(%dma_start3A_79 : memref<80x128xf32, #tpu.memory_space<vmem>>) offsets(%dma_start3A_82 : memref<80xi32, #tpu.memory_space<vmem>>) semaphore(%dma_start3A_87 : memref<!tpu.dma_semaphore, #tpu.memory_space<semaphore_mem>>)
    %dma_start3A_88 = arith.constant 0 : i32
    %dma_start3A_89 = arith.constant 1 : i32
    %dma_start3A_90 = arith.constant 0 : i32
    %dma_start3A_91 = arith.constant 0 : i32
    %dma_start3A_92 = arith.constant 0 : i32
    %dma_start3A_93 = arith.constant 0 : i32
    %dma_start3A_94 = tpu.memref_slice %arg10[%dma_start3A_90, %dma_start3A_92, %dma_start3A_93] : memref<2x80x128xf32, #tpu.memory_space<vmem>> -> memref<1x80x128xf32, #tpu.memory_space<vmem>>
    %dma_start3A_95 = tpu.memref_squeeze %dma_start3A_94 : memref<1x80x128xf32, #tpu.memory_space<vmem>> -> memref<80x128xf32, #tpu.memory_space<vmem>>
    %dma_start3A_96 = arith.constant 0 : i32
    %dma_start3A_97 = tpu.memref_slice %arg8[%dma_start3A_88, %dma_start3A_89, %dma_start3A_96] : memref<2x2x80xi32, #tpu.memory_space<vmem>> -> memref<1x1x80xi32, #tpu.memory_space<vmem>>
    %dma_start3A_98 = tpu.memref_squeeze %dma_start3A_97 : memref<1x1x80xi32, #tpu.memory_space<vmem>> -> memref<80xi32, #tpu.memory_space<vmem>>
    %dma_start3A_99 = arith.constant 0 : i32
    %dma_start3A_100 = arith.constant 0 : i32
    %dma_start3A_101 = tpu.memref_slice %arg7[%dma_start3A_99, %dma_start3A_100] : memref<10240x128xf32, #tpu.memory_space<vmem_shared>> -> memref<10240x128xf32, #tpu.memory_space<vmem_shared>>
    %dma_start3A_102 = tpu.memref_slice %arg15[%dma_start3A_91] : memref<2x!tpu.dma_semaphore, #tpu.memory_space<semaphore_mem>> -> memref<1x!tpu.dma_semaphore, #tpu.memory_space<semaphore_mem>>
    %dma_start3A_103 = tpu.memref_squeeze %dma_start3A_102 : memref<1x!tpu.dma_semaphore, #tpu.memory_space<semaphore_mem>> -> memref<!tpu.dma_semaphore, #tpu.memory_space<semaphore_mem>>
    tpu.enqueue_indirect_dma source(%dma_start3A_101 : memref<10240x128xf32, #tpu.memory_space<vmem_shared>>) target(%dma_start3A_95 : memref<80x128xf32, #tpu.memory_space<vmem>>) offsets(%dma_start3A_98 : memref<80xi32, #tpu.memory_space<vmem>>) semaphore(%dma_start3A_103 : memref<!tpu.dma_semaphore, #tpu.memory_space<semaphore_mem>>)
    %add3A_104 = arith.constant 80 : i32
    %add3A_105 = arith.addi %mul3A_2, %add3A_104 : i32
    %dma_start3A_106 = arith.constant 1 : i32
    %dma_start3A_107 = arith.constant 0 : i32
    %dma_start3A_108 = arith.constant 1 : i32
    %dma_start3A_109 = arith.constant 0 : i32
    %dma_start3A_110 = tpu.memref_slice %arg8[%dma_start3A_106, %dma_start3A_107, %dma_start3A_109] : memref<2x2x80xi32, #tpu.memory_space<vmem>> -> memref<1x1x80xi32, #tpu.memory_space<vmem>>
    %dma_start3A_111 = tpu.memref_squeeze %dma_start3A_110 : memref<1x1x80xi32, #tpu.memory_space<vmem>> -> memref<80xi32, #tpu.memory_space<vmem>>
    %dma_start3A_112 = tpu.memref_slice %arg3[%add3A_105] : memref<320000xi32, #tpu.memory_space<hbm>> -> memref<80xi32, #tpu.memory_space<hbm>>
    %dma_start3A_113 = tpu.memref_slice %arg13[%dma_start3A_108] : memref<2x!tpu.dma_semaphore, #tpu.memory_space<semaphore_mem>> -> memref<1x!tpu.dma_semaphore, #tpu.memory_space<semaphore_mem>>
    %dma_start3A_114 = tpu.memref_squeeze %dma_start3A_113 : memref<1x!tpu.dma_semaphore, #tpu.memory_space<semaphore_mem>> -> memref<!tpu.dma_semaphore, #tpu.memory_space<semaphore_mem>>
    %dma_start3A_115 = arith.constant 0 : i32
    %dma_start3A_116 = tpu.memref_slice %arg8[%dma_start3A_106, %dma_start3A_107, %dma_start3A_115] : memref<2x2x80xi32, #tpu.memory_space<vmem>> -> memref<1x1x80xi32, #tpu.memory_space<vmem>>
    %dma_start3A_117 = tpu.memref_squeeze %dma_start3A_116 : memref<1x1x80xi32, #tpu.memory_space<vmem>> -> memref<80xi32, #tpu.memory_space<vmem>>
    %dma_start3A_118 = tpu.memref_slice %arg3[%add3A_105] : memref<320000xi32, #tpu.memory_space<hbm>> -> memref<80xi32, #tpu.memory_space<hbm>>
    tpu.enqueue_dma source(%dma_start3A_118 : memref<80xi32, #tpu.memory_space<hbm>>) target(%dma_start3A_117 : memref<80xi32, #tpu.memory_space<vmem>>) target_semaphore(%dma_start3A_114 : memref<!tpu.dma_semaphore, #tpu.memory_space<semaphore_mem>>)
    %dma_start3A_119 = arith.constant 1 : i32
    %dma_start3A_120 = arith.constant 1 : i32
    %dma_start3A_121 = arith.constant 1 : i32
    %dma_start3A_122 = arith.constant 0 : i32
    %dma_start3A_123 = tpu.memref_slice %arg8[%dma_start3A_119, %dma_start3A_120, %dma_start3A_122] : memref<2x2x80xi32, #tpu.memory_space<vmem>> -> memref<1x1x80xi32, #tpu.memory_space<vmem>>
    %dma_start3A_124 = tpu.memref_squeeze %dma_start3A_123 : memref<1x1x80xi32, #tpu.memory_space<vmem>> -> memref<80xi32, #tpu.memory_space<vmem>>
    %dma_start3A_125 = tpu.memref_slice %arg4[%add3A_105] : memref<320000xi32, #tpu.memory_space<hbm>> -> memref<80xi32, #tpu.memory_space<hbm>>
    %dma_start3A_126 = tpu.memref_slice %arg13[%dma_start3A_121] : memref<2x!tpu.dma_semaphore, #tpu.memory_space<semaphore_mem>> -> memref<1x!tpu.dma_semaphore, #tpu.memory_space<semaphore_mem>>
    %dma_start3A_127 = tpu.memref_squeeze %dma_start3A_126 : memref<1x!tpu.dma_semaphore, #tpu.memory_space<semaphore_mem>> -> memref<!tpu.dma_semaphore, #tpu.memory_space<semaphore_mem>>
    %dma_start3A_128 = arith.constant 0 : i32
    %dma_start3A_129 = tpu.memref_slice %arg8[%dma_start3A_119, %dma_start3A_120, %dma_start3A_128] : memref<2x2x80xi32, #tpu.memory_space<vmem>> -> memref<1x1x80xi32, #tpu.memory_space<vmem>>
    %dma_start3A_130 = tpu.memref_squeeze %dma_start3A_129 : memref<1x1x80xi32, #tpu.memory_space<vmem>> -> memref<80xi32, #tpu.memory_space<vmem>>
    %dma_start3A_131 = tpu.memref_slice %arg4[%add3A_105] : memref<320000xi32, #tpu.memory_space<hbm>> -> memref<80xi32, #tpu.memory_space<hbm>>
    tpu.enqueue_dma source(%dma_start3A_131 : memref<80xi32, #tpu.memory_space<hbm>>) target(%dma_start3A_130 : memref<80xi32, #tpu.memory_space<vmem>>) target_semaphore(%dma_start3A_127 : memref<!tpu.dma_semaphore, #tpu.memory_space<semaphore_mem>>)
    %scan3A = arith.constant 0 : i32
    %scan3A_132 = arith.constant 0 : i32
    %scan3A_133 = arith.constant 125 : i32
    %scan3A_134 = arith.addi %scan3A_132, %scan3A_133 : i32
    %scan3A_135 = arith.constant 1 : i32
    scf.for %scan3A_165 = %scan3A_132 to %scan3A_134 step %scan3A_135  : i32 {
      %rem3A = arith.constant 2 : i32
      %rem3A_166 = arith.remsi %scan3A_165, %rem3A : i32
      %sub3A = arith.constant 1 : i32
      %sub3A_167 = arith.subi %sub3A, %rem3A_166 : i32
      %add3A_168 = arith.constant 1 : i32
      %add3A_169 = arith.addi %scan3A_165, %add3A_168 : i32
      %lt3A = arith.constant 125 : i32
      %lt3A_170 = arith.cmpi slt, %add3A_169, %lt3A : i32
      %convert_element_type3A = arith.extui %lt3A_170 : i1 to i32
      %cond3A = arith.constant 0 : i32
      %cond3A_171 = arith.cmpi ne, %convert_element_type3A, %cond3A : i32
      scf.if %cond3A_171 {
        %add3A_301 = arith.constant 1 : i32
        %add3A_302 = arith.addi %scan3A_165, %add3A_301 : i32
        %mul3A_303 = arith.constant 80 : i32
        %mul3A_304 = arith.muli %add3A_302, %mul3A_303 : i32
        %add3A_305 = arith.addi %mul3A_2, %mul3A_304 : i32
        %dma_wait3A_306 = arith.constant 0 : i32
        %dma_wait3A_307 = arith.constant 0 : i32
        %dma_wait3A_308 = tpu.memref_slice %arg8[%sub3A_167, %dma_wait3A_306, %dma_wait3A_307] : memref<2x2x80xi32, #tpu.memory_space<vmem>> -> memref<1x1x80xi32, #tpu.memory_space<vmem>>
        %dma_wait3A_309 = tpu.memref_squeeze %dma_wait3A_308 : memref<1x1x80xi32, #tpu.memory_space<vmem>> -> memref<80xi32, #tpu.memory_space<vmem>>
        %dma_wait3A_310 = tpu.memref_slice %arg3[%add3A_305] : memref<320000xi32, #tpu.memory_space<hbm>> -> memref<80xi32, #tpu.memory_space<hbm>>
        %dma_wait3A_311 = tpu.memref_slice %arg13[%sub3A_167] : memref<2x!tpu.dma_semaphore, #tpu.memory_space<semaphore_mem>> -> memref<1x!tpu.dma_semaphore, #tpu.memory_space<semaphore_mem>>
        %dma_wait3A_312 = tpu.memref_squeeze %dma_wait3A_311 : memref<1x!tpu.dma_semaphore, #tpu.memory_space<semaphore_mem>> -> memref<!tpu.dma_semaphore, #tpu.memory_space<semaphore_mem>>
        %dma_wait3A_313 = arith.constant 0 : i32
        %dma_wait3A_314 = tpu.memref_slice %arg8[%sub3A_167, %dma_wait3A_306, %dma_wait3A_313] : memref<2x2x80xi32, #tpu.memory_space<vmem>> -> memref<1x1x80xi32, #tpu.memory_space<vmem>>
        %dma_wait3A_315 = tpu.memref_squeeze %dma_wait3A_314 : memref<1x1x80xi32, #tpu.memory_space<vmem>> -> memref<80xi32, #tpu.memory_space<vmem>>
        %dma_wait3A_316 = tpu.memref_slice %arg3[%add3A_305] : memref<320000xi32, #tpu.memory_space<hbm>> -> memref<80xi32, #tpu.memory_space<hbm>>
        tpu.wait_dma2 semaphore(%dma_wait3A_312 : memref<!tpu.dma_semaphore, #tpu.memory_space<semaphore_mem>>) src(%dma_wait3A_316 : memref<80xi32, #tpu.memory_space<hbm>>) dst(%dma_wait3A_315 : memref<80xi32, #tpu.memory_space<vmem>>)
        %dma_wait3A_317 = arith.constant 1 : i32
        %dma_wait3A_318 = arith.constant 0 : i32
        %dma_wait3A_319 = tpu.memref_slice %arg8[%sub3A_167, %dma_wait3A_317, %dma_wait3A_318] : memref<2x2x80xi32, #tpu.memory_space<vmem>> -> memref<1x1x80xi32, #tpu.memory_space<vmem>>
        %dma_wait3A_320 = tpu.memref_squeeze %dma_wait3A_319 : memref<1x1x80xi32, #tpu.memory_space<vmem>> -> memref<80xi32, #tpu.memory_space<vmem>>
        %dma_wait3A_321 = tpu.memref_slice %arg4[%add3A_305] : memref<320000xi32, #tpu.memory_space<hbm>> -> memref<80xi32, #tpu.memory_space<hbm>>
        %dma_wait3A_322 = tpu.memref_slice %arg13[%sub3A_167] : memref<2x!tpu.dma_semaphore, #tpu.memory_space<semaphore_mem>> -> memref<1x!tpu.dma_semaphore, #tpu.memory_space<semaphore_mem>>
        %dma_wait3A_323 = tpu.memref_squeeze %dma_wait3A_322 : memref<1x!tpu.dma_semaphore, #tpu.memory_space<semaphore_mem>> -> memref<!tpu.dma_semaphore, #tpu.memory_space<semaphore_mem>>
        %dma_wait3A_324 = arith.constant 0 : i32
        %dma_wait3A_325 = tpu.memref_slice %arg8[%sub3A_167, %dma_wait3A_317, %dma_wait3A_324] : memref<2x2x80xi32, #tpu.memory_space<vmem>> -> memref<1x1x80xi32, #tpu.memory_space<vmem>>
        %dma_wait3A_326 = tpu.memref_squeeze %dma_wait3A_325 : memref<1x1x80xi32, #tpu.memory_space<vmem>> -> memref<80xi32, #tpu.memory_space<vmem>>
        %dma_wait3A_327 = tpu.memref_slice %arg4[%add3A_305] : memref<320000xi32, #tpu.memory_space<hbm>> -> memref<80xi32, #tpu.memory_space<hbm>>
        tpu.wait_dma2 semaphore(%dma_wait3A_323 : memref<!tpu.dma_semaphore, #tpu.memory_space<semaphore_mem>>) src(%dma_wait3A_327 : memref<80xi32, #tpu.memory_space<hbm>>) dst(%dma_wait3A_326 : memref<80xi32, #tpu.memory_space<vmem>>)
      } else {
      }
      %dma_wait3A_172 = arith.constant 0 : i32
      %dma_wait3A_173 = arith.constant 0 : i32
      %dma_wait3A_174 = arith.constant 0 : i32
      %dma_wait3A_175 = tpu.memref_slice %arg9[%rem3A_166, %dma_wait3A_173, %dma_wait3A_174] : memref<2x80x128xf32, #tpu.memory_space<vmem>> -> memref<1x80x128xf32, #tpu.memory_space<vmem>>
      %dma_wait3A_176 = tpu.memref_squeeze %dma_wait3A_175 : memref<1x80x128xf32, #tpu.memory_space<vmem>> -> memref<80x128xf32, #tpu.memory_space<vmem>>
      %dma_wait3A_177 = arith.constant 0 : i32
      %dma_wait3A_178 = tpu.memref_slice %arg8[%rem3A_166, %dma_wait3A_172, %dma_wait3A_177] : memref<2x2x80xi32, #tpu.memory_space<vmem>> -> memref<1x1x80xi32, #tpu.memory_space<vmem>>
      %dma_wait3A_179 = tpu.memref_squeeze %dma_wait3A_178 : memref<1x1x80xi32, #tpu.memory_space<vmem>> -> memref<80xi32, #tpu.memory_space<vmem>>
      %dma_wait3A_180 = arith.constant 0 : i32
      %dma_wait3A_181 = arith.constant 0 : i32
      %dma_wait3A_182 = tpu.memref_slice %arg2[%dma_wait3A_180, %dma_wait3A_181] : memref<10240x128xf32, #tpu.memory_space<hbm>> -> memref<10240x128xf32, #tpu.memory_space<hbm>>
      %dma_wait3A_183 = tpu.memref_slice %arg14[%rem3A_166] : memref<2x!tpu.dma_semaphore, #tpu.memory_space<semaphore_mem>> -> memref<1x!tpu.dma_semaphore, #tpu.memory_space<semaphore_mem>>
      %dma_wait3A_184 = tpu.memref_squeeze %dma_wait3A_183 : memref<1x!tpu.dma_semaphore, #tpu.memory_space<semaphore_mem>> -> memref<!tpu.dma_semaphore, #tpu.memory_space<semaphore_mem>>
      tpu.wait_indirect_dma semaphore(%dma_wait3A_184 : memref<!tpu.dma_semaphore, #tpu.memory_space<semaphore_mem>>) src(%dma_wait3A_182 : memref<10240x128xf32, #tpu.memory_space<hbm>>) dst(%dma_wait3A_176 : memref<80x128xf32, #tpu.memory_space<vmem>>)
      %dma_wait3A_185 = arith.constant 1 : i32
      %dma_wait3A_186 = arith.constant 0 : i32
      %dma_wait3A_187 = arith.constant 0 : i32
      %dma_wait3A_188 = tpu.memref_slice %arg10[%rem3A_166, %dma_wait3A_186, %dma_wait3A_187] : memref<2x80x128xf32, #tpu.memory_space<vmem>> -> memref<1x80x128xf32, #tpu.memory_space<vmem>>
      %dma_wait3A_189 = tpu.memref_squeeze %dma_wait3A_188 : memref<1x80x128xf32, #tpu.memory_space<vmem>> -> memref<80x128xf32, #tpu.memory_space<vmem>>
      %dma_wait3A_190 = arith.constant 0 : i32
      %dma_wait3A_191 = tpu.memref_slice %arg8[%rem3A_166, %dma_wait3A_185, %dma_wait3A_190] : memref<2x2x80xi32, #tpu.memory_space<vmem>> -> memref<1x1x80xi32, #tpu.memory_space<vmem>>
      %dma_wait3A_192 = tpu.memref_squeeze %dma_wait3A_191 : memref<1x1x80xi32, #tpu.memory_space<vmem>> -> memref<80xi32, #tpu.memory_space<vmem>>
      %dma_wait3A_193 = arith.constant 0 : i32
      %dma_wait3A_194 = arith.constant 0 : i32
      %dma_wait3A_195 = tpu.memref_slice %arg7[%dma_wait3A_193, %dma_wait3A_194] : memref<10240x128xf32, #tpu.memory_space<vmem_shared>> -> memref<10240x128xf32, #tpu.memory_space<vmem_shared>>
      %dma_wait3A_196 = tpu.memref_slice %arg15[%rem3A_166] : memref<2x!tpu.dma_semaphore, #tpu.memory_space<semaphore_mem>> -> memref<1x!tpu.dma_semaphore, #tpu.memory_space<semaphore_mem>>
      %dma_wait3A_197 = tpu.memref_squeeze %dma_wait3A_196 : memref<1x!tpu.dma_semaphore, #tpu.memory_space<semaphore_mem>> -> memref<!tpu.dma_semaphore, #tpu.memory_space<semaphore_mem>>
      tpu.wait_indirect_dma semaphore(%dma_wait3A_197 : memref<!tpu.dma_semaphore, #tpu.memory_space<semaphore_mem>>) src(%dma_wait3A_195 : memref<10240x128xf32, #tpu.memory_space<vmem_shared>>) dst(%dma_wait3A_189 : memref<80x128xf32, #tpu.memory_space<vmem>>)
      %add3A_198 = arith.constant 1 : i32
      %add3A_199 = arith.addi %scan3A_165, %add3A_198 : i32
      %lt3A_200 = arith.constant 125 : i32
      %lt3A_201 = arith.cmpi slt, %add3A_199, %lt3A_200 : i32
      %convert_element_type3A_202 = arith.extui %lt3A_201 : i1 to i32
      %cond3A_203 = arith.constant 0 : i32
      %cond3A_204 = arith.cmpi ne, %convert_element_type3A_202, %cond3A_203 : i32
      scf.if %cond3A_204 {
        %dma_start3A_301 = arith.constant 0 : i32
        %dma_start3A_302 = arith.constant 0 : i32
        %dma_start3A_303 = arith.constant 0 : i32
        %dma_start3A_304 = tpu.memref_slice %arg9[%sub3A_167, %dma_start3A_302, %dma_start3A_303] : memref<2x80x128xf32, #tpu.memory_space<vmem>> -> memref<1x80x128xf32, #tpu.memory_space<vmem>>
        %dma_start3A_305 = tpu.memref_squeeze %dma_start3A_304 : memref<1x80x128xf32, #tpu.memory_space<vmem>> -> memref<80x128xf32, #tpu.memory_space<vmem>>
        %dma_start3A_306 = arith.constant 0 : i32
        %dma_start3A_307 = tpu.memref_slice %arg8[%sub3A_167, %dma_start3A_301, %dma_start3A_306] : memref<2x2x80xi32, #tpu.memory_space<vmem>> -> memref<1x1x80xi32, #tpu.memory_space<vmem>>
        %dma_start3A_308 = tpu.memref_squeeze %dma_start3A_307 : memref<1x1x80xi32, #tpu.memory_space<vmem>> -> memref<80xi32, #tpu.memory_space<vmem>>
        %dma_start3A_309 = arith.constant 0 : i32
        %dma_start3A_310 = arith.constant 0 : i32
        %dma_start3A_311 = tpu.memref_slice %arg2[%dma_start3A_309, %dma_start3A_310] : memref<10240x128xf32, #tpu.memory_space<hbm>> -> memref<10240x128xf32, #tpu.memory_space<hbm>>
        %dma_start3A_312 = tpu.memref_slice %arg14[%sub3A_167] : memref<2x!tpu.dma_semaphore, #tpu.memory_space<semaphore_mem>> -> memref<1x!tpu.dma_semaphore, #tpu.memory_space<semaphore_mem>>
        %dma_start3A_313 = tpu.memref_squeeze %dma_start3A_312 : memref<1x!tpu.dma_semaphore, #tpu.memory_space<semaphore_mem>> -> memref<!tpu.dma_semaphore, #tpu.memory_space<semaphore_mem>>
        tpu.enqueue_indirect_dma source(%dma_start3A_311 : memref<10240x128xf32, #tpu.memory_space<hbm>>) target(%dma_start3A_305 : memref<80x128xf32, #tpu.memory_space<vmem>>) offsets(%dma_start3A_308 : memref<80xi32, #tpu.memory_space<vmem>>) semaphore(%dma_start3A_313 : memref<!tpu.dma_semaphore, #tpu.memory_space<semaphore_mem>>)
        %dma_start3A_314 = arith.constant 1 : i32
        %dma_start3A_315 = arith.constant 0 : i32
        %dma_start3A_316 = arith.constant 0 : i32
        %dma_start3A_317 = tpu.memref_slice %arg10[%sub3A_167, %dma_start3A_315, %dma_start3A_316] : memref<2x80x128xf32, #tpu.memory_space<vmem>> -> memref<1x80x128xf32, #tpu.memory_space<vmem>>
        %dma_start3A_318 = tpu.memref_squeeze %dma_start3A_317 : memref<1x80x128xf32, #tpu.memory_space<vmem>> -> memref<80x128xf32, #tpu.memory_space<vmem>>
        %dma_start3A_319 = arith.constant 0 : i32
        %dma_start3A_320 = tpu.memref_slice %arg8[%sub3A_167, %dma_start3A_314, %dma_start3A_319] : memref<2x2x80xi32, #tpu.memory_space<vmem>> -> memref<1x1x80xi32, #tpu.memory_space<vmem>>
        %dma_start3A_321 = tpu.memref_squeeze %dma_start3A_320 : memref<1x1x80xi32, #tpu.memory_space<vmem>> -> memref<80xi32, #tpu.memory_space<vmem>>
        %dma_start3A_322 = arith.constant 0 : i32
        %dma_start3A_323 = arith.constant 0 : i32
        %dma_start3A_324 = tpu.memref_slice %arg7[%dma_start3A_322, %dma_start3A_323] : memref<10240x128xf32, #tpu.memory_space<vmem_shared>> -> memref<10240x128xf32, #tpu.memory_space<vmem_shared>>
        %dma_start3A_325 = tpu.memref_slice %arg15[%sub3A_167] : memref<2x!tpu.dma_semaphore, #tpu.memory_space<semaphore_mem>> -> memref<1x!tpu.dma_semaphore, #tpu.memory_space<semaphore_mem>>
        %dma_start3A_326 = tpu.memref_squeeze %dma_start3A_325 : memref<1x!tpu.dma_semaphore, #tpu.memory_space<semaphore_mem>> -> memref<!tpu.dma_semaphore, #tpu.memory_space<semaphore_mem>>
        tpu.enqueue_indirect_dma source(%dma_start3A_324 : memref<10240x128xf32, #tpu.memory_space<vmem_shared>>) target(%dma_start3A_318 : memref<80x128xf32, #tpu.memory_space<vmem>>) offsets(%dma_start3A_321 : memref<80xi32, #tpu.memory_space<vmem>>) semaphore(%dma_start3A_326 : memref<!tpu.dma_semaphore, #tpu.memory_space<semaphore_mem>>)
        %add3A_327 = arith.constant 2 : i32
        %add3A_328 = arith.addi %scan3A_165, %add3A_327 : i32
        %lt3A_329 = arith.constant 125 : i32
        %lt3A_330 = arith.cmpi slt, %add3A_328, %lt3A_329 : i32
        %convert_element_type3A_331 = arith.extui %lt3A_330 : i1 to i32
        %cond3A_332 = arith.constant 0 : i32
        %cond3A_333 = arith.cmpi ne, %convert_element_type3A_331, %cond3A_332 : i32
        scf.if %cond3A_333 {
          %add3A_334 = arith.constant 2 : i32
          %add3A_335 = arith.addi %scan3A_165, %add3A_334 : i32
          %mul3A_336 = arith.constant 80 : i32
          %mul3A_337 = arith.muli %add3A_335, %mul3A_336 : i32
          %add3A_338 = arith.addi %mul3A_2, %mul3A_337 : i32
          %dma_start3A_339 = arith.constant 0 : i32
          %dma_start3A_340 = arith.constant 0 : i32
          %dma_start3A_341 = tpu.memref_slice %arg8[%rem3A_166, %dma_start3A_339, %dma_start3A_340] : memref<2x2x80xi32, #tpu.memory_space<vmem>> -> memref<1x1x80xi32, #tpu.memory_space<vmem>>
          %dma_start3A_342 = tpu.memref_squeeze %dma_start3A_341 : memref<1x1x80xi32, #tpu.memory_space<vmem>> -> memref<80xi32, #tpu.memory_space<vmem>>
          %dma_start3A_343 = tpu.memref_slice %arg3[%add3A_338] : memref<320000xi32, #tpu.memory_space<hbm>> -> memref<80xi32, #tpu.memory_space<hbm>>
          %dma_start3A_344 = tpu.memref_slice %arg13[%rem3A_166] : memref<2x!tpu.dma_semaphore, #tpu.memory_space<semaphore_mem>> -> memref<1x!tpu.dma_semaphore, #tpu.memory_space<semaphore_mem>>
          %dma_start3A_345 = tpu.memref_squeeze %dma_start3A_344 : memref<1x!tpu.dma_semaphore, #tpu.memory_space<semaphore_mem>> -> memref<!tpu.dma_semaphore, #tpu.memory_space<semaphore_mem>>
          %dma_start3A_346 = arith.constant 0 : i32
          %dma_start3A_347 = tpu.memref_slice %arg8[%rem3A_166, %dma_start3A_339, %dma_start3A_346] : memref<2x2x80xi32, #tpu.memory_space<vmem>> -> memref<1x1x80xi32, #tpu.memory_space<vmem>>
          %dma_start3A_348 = tpu.memref_squeeze %dma_start3A_347 : memref<1x1x80xi32, #tpu.memory_space<vmem>> -> memref<80xi32, #tpu.memory_space<vmem>>
          %dma_start3A_349 = tpu.memref_slice %arg3[%add3A_338] : memref<320000xi32, #tpu.memory_space<hbm>> -> memref<80xi32, #tpu.memory_space<hbm>>
          tpu.enqueue_dma source(%dma_start3A_349 : memref<80xi32, #tpu.memory_space<hbm>>) target(%dma_start3A_348 : memref<80xi32, #tpu.memory_space<vmem>>) target_semaphore(%dma_start3A_345 : memref<!tpu.dma_semaphore, #tpu.memory_space<semaphore_mem>>)
          %dma_start3A_350 = arith.constant 1 : i32
          %dma_start3A_351 = arith.constant 0 : i32
          %dma_start3A_352 = tpu.memref_slice %arg8[%rem3A_166, %dma_start3A_350, %dma_start3A_351] : memref<2x2x80xi32, #tpu.memory_space<vmem>> -> memref<1x1x80xi32, #tpu.memory_space<vmem>>
          %dma_start3A_353 = tpu.memref_squeeze %dma_start3A_352 : memref<1x1x80xi32, #tpu.memory_space<vmem>> -> memref<80xi32, #tpu.memory_space<vmem>>
          %dma_start3A_354 = tpu.memref_slice %arg4[%add3A_338] : memref<320000xi32, #tpu.memory_space<hbm>> -> memref<80xi32, #tpu.memory_space<hbm>>
          %dma_start3A_355 = tpu.memref_slice %arg13[%rem3A_166] : memref<2x!tpu.dma_semaphore, #tpu.memory_space<semaphore_mem>> -> memref<1x!tpu.dma_semaphore, #tpu.memory_space<semaphore_mem>>
          %dma_start3A_356 = tpu.memref_squeeze %dma_start3A_355 : memref<1x!tpu.dma_semaphore, #tpu.memory_space<semaphore_mem>> -> memref<!tpu.dma_semaphore, #tpu.memory_space<semaphore_mem>>
          %dma_start3A_357 = arith.constant 0 : i32
          %dma_start3A_358 = tpu.memref_slice %arg8[%rem3A_166, %dma_start3A_350, %dma_start3A_357] : memref<2x2x80xi32, #tpu.memory_space<vmem>> -> memref<1x1x80xi32, #tpu.memory_space<vmem>>
          %dma_start3A_359 = tpu.memref_squeeze %dma_start3A_358 : memref<1x1x80xi32, #tpu.memory_space<vmem>> -> memref<80xi32, #tpu.memory_space<vmem>>
          %dma_start3A_360 = tpu.memref_slice %arg4[%add3A_338] : memref<320000xi32, #tpu.memory_space<hbm>> -> memref<80xi32, #tpu.memory_space<hbm>>
          tpu.enqueue_dma source(%dma_start3A_360 : memref<80xi32, #tpu.memory_space<hbm>>) target(%dma_start3A_359 : memref<80xi32, #tpu.memory_space<vmem>>) target_semaphore(%dma_start3A_356 : memref<!tpu.dma_semaphore, #tpu.memory_space<semaphore_mem>>)
        } else {
        }
      } else {
      }
      %ge3A = arith.constant 2 : i32
      %ge3A_205 = arith.cmpi sge, %scan3A_165, %ge3A : i32
      %convert_element_type3A_206 = arith.extui %ge3A_205 : i1 to i32
      %cond3A_207 = arith.constant 0 : i32
      %cond3A_208 = arith.cmpi ne, %convert_element_type3A_206, %cond3A_207 : i32
      scf.if %cond3A_208 {
        %mul3A_301 = arith.constant 80 : i32
        %mul3A_302 = arith.muli %scan3A_165, %mul3A_301 : i32
        %add3A_303 = arith.addi %mul3A_2, %mul3A_302 : i32
        %dma_wait3A_304 = arith.constant 0 : i32
        %dma_wait3A_305 = tpu.memref_slice %arg12[%rem3A_166, %dma_wait3A_304] : memref<2x80xf32, #tpu.memory_space<vmem>> -> memref<1x80xf32, #tpu.memory_space<vmem>>
        %dma_wait3A_306 = tpu.memref_squeeze %dma_wait3A_305 : memref<1x80xf32, #tpu.memory_space<vmem>> -> memref<80xf32, #tpu.memory_space<vmem>>
        %dma_wait3A_307 = tpu.memref_slice %arg6[%add3A_303] : memref<320000xf32, #tpu.memory_space<hbm>> -> memref<80xf32, #tpu.memory_space<hbm>>
        %dma_wait3A_308 = tpu.memref_slice %arg16[%rem3A_166] : memref<2x!tpu.dma_semaphore, #tpu.memory_space<semaphore_mem>> -> memref<1x!tpu.dma_semaphore, #tpu.memory_space<semaphore_mem>>
        %dma_wait3A_309 = tpu.memref_squeeze %dma_wait3A_308 : memref<1x!tpu.dma_semaphore, #tpu.memory_space<semaphore_mem>> -> memref<!tpu.dma_semaphore, #tpu.memory_space<semaphore_mem>>
        %dma_wait3A_310 = tpu.memref_slice %arg6[%add3A_303] : memref<320000xf32, #tpu.memory_space<hbm>> -> memref<80xf32, #tpu.memory_space<hbm>>
        %dma_wait3A_311 = arith.constant 0 : i32
        %dma_wait3A_312 = tpu.memref_slice %arg12[%rem3A_166, %dma_wait3A_311] : memref<2x80xf32, #tpu.memory_space<vmem>> -> memref<1x80xf32, #tpu.memory_space<vmem>>
        %dma_wait3A_313 = tpu.memref_squeeze %dma_wait3A_312 : memref<1x80xf32, #tpu.memory_space<vmem>> -> memref<80xf32, #tpu.memory_space<vmem>>
        tpu.wait_dma2 semaphore(%dma_wait3A_309 : memref<!tpu.dma_semaphore, #tpu.memory_space<semaphore_mem>>) src(%dma_wait3A_313 : memref<80xf32, #tpu.memory_space<vmem>>) dst(%dma_wait3A_310 : memref<80xf32, #tpu.memory_space<hbm>>)
      } else {
      }
      %broadcast_in_dim3A = arith.constant 0 : i32
      %broadcast_in_dim3A_209 = vector.broadcast %broadcast_in_dim3A : i32 to vector<16xi32>
      %add3A_210 = vector.broadcast %rem3A_166 : i32 to vector<16xi32>
      %add3A_211 = arith.addi %broadcast_in_dim3A_209, %add3A_210 : vector<16xi32>
      %broadcast_in_dim3A_212 = arith.constant 0.000000e+00 : f32
      %broadcast_in_dim3A_213 = vector.broadcast %broadcast_in_dim3A_212 : f32 to vector<16xf32>
      %scan3A_214 = arith.constant 0 : i32
      %scan3A_215 = arith.constant 32 : i32
      %scan3A_216 = arith.addi %scan3A_214, %scan3A_215 : i32
      %scan3A_217 = arith.constant 1 : i32
      %scan3A_218:6 = scf.for %scan3A_301 = %scan3A_214 to %scan3A_216 step %scan3A_217 iter_args(%scan3A_302 = %iota3A, %scan3A_303 = %broadcast_in_dim3A_213, %scan3A_304 = %broadcast_in_dim3A_213, %scan3A_305 = %broadcast_in_dim3A_213, %scan3A_306 = %broadcast_in_dim3A_213, %scan3A_307 = %broadcast_in_dim3A_213) -> (vector<16xi32>, vector<16xf32>, vector<16xf32>, vector<16xf32>, vector<16xf32>, vector<16xf32>)  : i32 {
        %gather3A_308 = tpu.vector_load_idx %arg11[%scan3A_302] : memref<144xf32, #tpu.memory_space<vmem>>[vector<16xi32>], vector<16xf32>,
        %gather3A_309 = tpu.vector_load_idx %arg9[%add3A_211, %add3A_7, %scan3A_302] : memref<2x80x128xf32, #tpu.memory_space<vmem>>[vector<16xi32>, vector<16xi32>, vector<16xi32>], vector<16xf32>,
        %gather3A_310 = tpu.vector_load_idx %arg10[%add3A_211, %add3A_7, %scan3A_302] : memref<2x80x128xf32, #tpu.memory_space<vmem>>[vector<16xi32>, vector<16xi32>, vector<16xi32>], vector<16xf32>,
        %mul3A_311 = arith.mulf %gather3A_309, %gather3A_310 : vector<16xf32>
        %mul3A_312 = arith.mulf %mul3A_311, %gather3A_308 : vector<16xf32>
        %add3A_313 = arith.addf %scan3A_303, %mul3A_312 : vector<16xf32>
        %gather3A_314 = tpu.vector_load_idx %arg9[%add3A_211, %add3A_10, %scan3A_302] : memref<2x80x128xf32, #tpu.memory_space<vmem>>[vector<16xi32>, vector<16xi32>, vector<16xi32>], vector<16xf32>,
        %gather3A_315 = tpu.vector_load_idx %arg10[%add3A_211, %add3A_10, %scan3A_302] : memref<2x80x128xf32, #tpu.memory_space<vmem>>[vector<16xi32>, vector<16xi32>, vector<16xi32>], vector<16xf32>,
        %mul3A_316 = arith.mulf %gather3A_314, %gather3A_315 : vector<16xf32>
        %mul3A_317 = arith.mulf %mul3A_316, %gather3A_308 : vector<16xf32>
        %add3A_318 = arith.addf %scan3A_304, %mul3A_317 : vector<16xf32>
        %gather3A_319 = tpu.vector_load_idx %arg9[%add3A_211, %add3A_13, %scan3A_302] : memref<2x80x128xf32, #tpu.memory_space<vmem>>[vector<16xi32>, vector<16xi32>, vector<16xi32>], vector<16xf32>,
        %gather3A_320 = tpu.vector_load_idx %arg10[%add3A_211, %add3A_13, %scan3A_302] : memref<2x80x128xf32, #tpu.memory_space<vmem>>[vector<16xi32>, vector<16xi32>, vector<16xi32>], vector<16xf32>,
        %mul3A_321 = arith.mulf %gather3A_319, %gather3A_320 : vector<16xf32>
        %mul3A_322 = arith.mulf %mul3A_321, %gather3A_308 : vector<16xf32>
        %add3A_323 = arith.addf %scan3A_305, %mul3A_322 : vector<16xf32>
        %gather3A_324 = tpu.vector_load_idx %arg9[%add3A_211, %add3A_16, %scan3A_302] : memref<2x80x128xf32, #tpu.memory_space<vmem>>[vector<16xi32>, vector<16xi32>, vector<16xi32>], vector<16xf32>,
        %gather3A_325 = tpu.vector_load_idx %arg10[%add3A_211, %add3A_16, %scan3A_302] : memref<2x80x128xf32, #tpu.memory_space<vmem>>[vector<16xi32>, vector<16xi32>, vector<16xi32>], vector<16xf32>,
        %mul3A_326 = arith.mulf %gather3A_324, %gather3A_325 : vector<16xf32>
        %mul3A_327 = arith.mulf %mul3A_326, %gather3A_308 : vector<16xf32>
        %add3A_328 = arith.addf %scan3A_306, %mul3A_327 : vector<16xf32>
        %gather3A_329 = tpu.vector_load_idx %arg9[%add3A_211, %add3A_19, %scan3A_302] : memref<2x80x128xf32, #tpu.memory_space<vmem>>[vector<16xi32>, vector<16xi32>, vector<16xi32>], vector<16xf32>,
        %gather3A_330 = tpu.vector_load_idx %arg10[%add3A_211, %add3A_19, %scan3A_302] : memref<2x80x128xf32, #tpu.memory_space<vmem>>[vector<16xi32>, vector<16xi32>, vector<16xi32>], vector<16xf32>,
        %mul3A_331 = arith.mulf %gather3A_329, %gather3A_330 : vector<16xf32>
        %mul3A_332 = arith.mulf %mul3A_331, %gather3A_308 : vector<16xf32>
        %add3A_333 = arith.addf %scan3A_307, %mul3A_332 : vector<16xf32>
        %add3A_334 = arith.constant 1 : i32
        %add3A_335 = vector.broadcast %add3A_334 : i32 to vector<16xi32>
        %add3A_336 = arith.addi %scan3A_302, %add3A_335 : vector<16xi32>
        %and3A = arith.constant 127 : i32
        %and3A_337 = vector.broadcast %and3A : i32 to vector<16xi32>
        %and3A_338 = arith.andi %add3A_336, %and3A_337 : vector<16xi32>
        %gather3A_339 = tpu.vector_load_idx %arg11[%and3A_338] : memref<144xf32, #tpu.memory_space<vmem>>[vector<16xi32>], vector<16xf32>,
        %gather3A_340 = tpu.vector_load_idx %arg9[%add3A_211, %add3A_7, %and3A_338] : memref<2x80x128xf32, #tpu.memory_space<vmem>>[vector<16xi32>, vector<16xi32>, vector<16xi32>], vector<16xf32>,
        %gather3A_341 = tpu.vector_load_idx %arg10[%add3A_211, %add3A_7, %and3A_338] : memref<2x80x128xf32, #tpu.memory_space<vmem>>[vector<16xi32>, vector<16xi32>, vector<16xi32>], vector<16xf32>,
        %mul3A_342 = arith.mulf %gather3A_340, %gather3A_341 : vector<16xf32>
        %mul3A_343 = arith.mulf %mul3A_342, %gather3A_339 : vector<16xf32>
        %add3A_344 = arith.addf %add3A_313, %mul3A_343 : vector<16xf32>
        %gather3A_345 = tpu.vector_load_idx %arg9[%add3A_211, %add3A_10, %and3A_338] : memref<2x80x128xf32, #tpu.memory_space<vmem>>[vector<16xi32>, vector<16xi32>, vector<16xi32>], vector<16xf32>,
        %gather3A_346 = tpu.vector_load_idx %arg10[%add3A_211, %add3A_10, %and3A_338] : memref<2x80x128xf32, #tpu.memory_space<vmem>>[vector<16xi32>, vector<16xi32>, vector<16xi32>], vector<16xf32>,
        %mul3A_347 = arith.mulf %gather3A_345, %gather3A_346 : vector<16xf32>
        %mul3A_348 = arith.mulf %mul3A_347, %gather3A_339 : vector<16xf32>
        %add3A_349 = arith.addf %add3A_318, %mul3A_348 : vector<16xf32>
        %gather3A_350 = tpu.vector_load_idx %arg9[%add3A_211, %add3A_13, %and3A_338] : memref<2x80x128xf32, #tpu.memory_space<vmem>>[vector<16xi32>, vector<16xi32>, vector<16xi32>], vector<16xf32>,
        %gather3A_351 = tpu.vector_load_idx %arg10[%add3A_211, %add3A_13, %and3A_338] : memref<2x80x128xf32, #tpu.memory_space<vmem>>[vector<16xi32>, vector<16xi32>, vector<16xi32>], vector<16xf32>,
        %mul3A_352 = arith.mulf %gather3A_350, %gather3A_351 : vector<16xf32>
        %mul3A_353 = arith.mulf %mul3A_352, %gather3A_339 : vector<16xf32>
        %add3A_354 = arith.addf %add3A_323, %mul3A_353 : vector<16xf32>
        %gather3A_355 = tpu.vector_load_idx %arg9[%add3A_211, %add3A_16, %and3A_338] : memref<2x80x128xf32, #tpu.memory_space<vmem>>[vector<16xi32>, vector<16xi32>, vector<16xi32>], vector<16xf32>,
        %gather3A_356 = tpu.vector_load_idx %arg10[%add3A_211, %add3A_16, %and3A_338] : memref<2x80x128xf32, #tpu.memory_space<vmem>>[vector<16xi32>, vector<16xi32>, vector<16xi32>], vector<16xf32>,
        %mul3A_357 = arith.mulf %gather3A_355, %gather3A_356 : vector<16xf32>
        %mul3A_358 = arith.mulf %mul3A_357, %gather3A_339 : vector<16xf32>
        %add3A_359 = arith.addf %add3A_328, %mul3A_358 : vector<16xf32>
        %gather3A_360 = tpu.vector_load_idx %arg9[%add3A_211, %add3A_19, %and3A_338] : memref<2x80x128xf32, #tpu.memory_space<vmem>>[vector<16xi32>, vector<16xi32>, vector<16xi32>], vector<16xf32>,
        %gather3A_361 = tpu.vector_load_idx %arg10[%add3A_211, %add3A_19, %and3A_338] : memref<2x80x128xf32, #tpu.memory_space<vmem>>[vector<16xi32>, vector<16xi32>, vector<16xi32>], vector<16xf32>,
        %mul3A_362 = arith.mulf %gather3A_360, %gather3A_361 : vector<16xf32>
        %mul3A_363 = arith.mulf %mul3A_362, %gather3A_339 : vector<16xf32>
        %add3A_364 = arith.addf %add3A_333, %mul3A_363 : vector<16xf32>
        %add3A_365 = arith.constant 1 : i32
        %add3A_366 = vector.broadcast %add3A_365 : i32 to vector<16xi32>
        %add3A_367 = arith.addi %and3A_338, %add3A_366 : vector<16xi32>
        %and3A_368 = arith.constant 127 : i32
        %and3A_369 = vector.broadcast %and3A_368 : i32 to vector<16xi32>
        %and3A_370 = arith.andi %add3A_367, %and3A_369 : vector<16xi32>
        %gather3A_371 = tpu.vector_load_idx %arg11[%and3A_370] : memref<144xf32, #tpu.memory_space<vmem>>[vector<16xi32>], vector<16xf32>,
        %gather3A_372 = tpu.vector_load_idx %arg9[%add3A_211, %add3A_7, %and3A_370] : memref<2x80x128xf32, #tpu.memory_space<vmem>>[vector<16xi32>, vector<16xi32>, vector<16xi32>], vector<16xf32>,
        %gather3A_373 = tpu.vector_load_idx %arg10[%add3A_211, %add3A_7, %and3A_370] : memref<2x80x128xf32, #tpu.memory_space<vmem>>[vector<16xi32>, vector<16xi32>, vector<16xi32>], vector<16xf32>,
        %mul3A_374 = arith.mulf %gather3A_372, %gather3A_373 : vector<16xf32>
        %mul3A_375 = arith.mulf %mul3A_374, %gather3A_371 : vector<16xf32>
        %add3A_376 = arith.addf %add3A_344, %mul3A_375 : vector<16xf32>
        %gather3A_377 = tpu.vector_load_idx %arg9[%add3A_211, %add3A_10, %and3A_370] : memref<2x80x128xf32, #tpu.memory_space<vmem>>[vector<16xi32>, vector<16xi32>, vector<16xi32>], vector<16xf32>,
        %gather3A_378 = tpu.vector_load_idx %arg10[%add3A_211, %add3A_10, %and3A_370] : memref<2x80x128xf32, #tpu.memory_space<vmem>>[vector<16xi32>, vector<16xi32>, vector<16xi32>], vector<16xf32>,
        %mul3A_379 = arith.mulf %gather3A_377, %gather3A_378 : vector<16xf32>
        %mul3A_380 = arith.mulf %mul3A_379, %gather3A_371 : vector<16xf32>
        %add3A_381 = arith.addf %add3A_349, %mul3A_380 : vector<16xf32>
        %gather3A_382 = tpu.vector_load_idx %arg9[%add3A_211, %add3A_13, %and3A_370] : memref<2x80x128xf32, #tpu.memory_space<vmem>>[vector<16xi32>, vector<16xi32>, vector<16xi32>], vector<16xf32>,
        %gather3A_383 = tpu.vector_load_idx %arg10[%add3A_211, %add3A_13, %and3A_370] : memref<2x80x128xf32, #tpu.memory_space<vmem>>[vector<16xi32>, vector<16xi32>, vector<16xi32>], vector<16xf32>,
        %mul3A_384 = arith.mulf %gather3A_382, %gather3A_383 : vector<16xf32>
        %mul3A_385 = arith.mulf %mul3A_384, %gather3A_371 : vector<16xf32>
        %add3A_386 = arith.addf %add3A_354, %mul3A_385 : vector<16xf32>
        %gather3A_387 = tpu.vector_load_idx %arg9[%add3A_211, %add3A_16, %and3A_370] : memref<2x80x128xf32, #tpu.memory_space<vmem>>[vector<16xi32>, vector<16xi32>, vector<16xi32>], vector<16xf32>,
        %gather3A_388 = tpu.vector_load_idx %arg10[%add3A_211, %add3A_16, %and3A_370] : memref<2x80x128xf32, #tpu.memory_space<vmem>>[vector<16xi32>, vector<16xi32>, vector<16xi32>], vector<16xf32>,
        %mul3A_389 = arith.mulf %gather3A_387, %gather3A_388 : vector<16xf32>
        %mul3A_390 = arith.mulf %mul3A_389, %gather3A_371 : vector<16xf32>
        %add3A_391 = arith.addf %add3A_359, %mul3A_390 : vector<16xf32>
        %gather3A_392 = tpu.vector_load_idx %arg9[%add3A_211, %add3A_19, %and3A_370] : memref<2x80x128xf32, #tpu.memory_space<vmem>>[vector<16xi32>, vector<16xi32>, vector<16xi32>], vector<16xf32>,
        %gather3A_393 = tpu.vector_load_idx %arg10[%add3A_211, %add3A_19, %and3A_370] : memref<2x80x128xf32, #tpu.memory_space<vmem>>[vector<16xi32>, vector<16xi32>, vector<16xi32>], vector<16xf32>,
        %mul3A_394 = arith.mulf %gather3A_392, %gather3A_393 : vector<16xf32>
        %mul3A_395 = arith.mulf %mul3A_394, %gather3A_371 : vector<16xf32>
        %add3A_396 = arith.addf %add3A_364, %mul3A_395 : vector<16xf32>
        %add3A_397 = arith.constant 1 : i32
        %add3A_398 = vector.broadcast %add3A_397 : i32 to vector<16xi32>
        %add3A_399 = arith.addi %and3A_370, %add3A_398 : vector<16xi32>
        %and3A_400 = arith.constant 127 : i32
        %and3A_401 = vector.broadcast %and3A_400 : i32 to vector<16xi32>
        %and3A_402 = arith.andi %add3A_399, %and3A_401 : vector<16xi32>
        %gather3A_403 = tpu.vector_load_idx %arg11[%and3A_402] : memref<144xf32, #tpu.memory_space<vmem>>[vector<16xi32>], vector<16xf32>,
        %gather3A_404 = tpu.vector_load_idx %arg9[%add3A_211, %add3A_7, %and3A_402] : memref<2x80x128xf32, #tpu.memory_space<vmem>>[vector<16xi32>, vector<16xi32>, vector<16xi32>], vector<16xf32>,
        %gather3A_405 = tpu.vector_load_idx %arg10[%add3A_211, %add3A_7, %and3A_402] : memref<2x80x128xf32, #tpu.memory_space<vmem>>[vector<16xi32>, vector<16xi32>, vector<16xi32>], vector<16xf32>,
        %mul3A_406 = arith.mulf %gather3A_404, %gather3A_405 : vector<16xf32>
        %mul3A_407 = arith.mulf %mul3A_406, %gather3A_403 : vector<16xf32>
        %add3A_408 = arith.addf %add3A_376, %mul3A_407 : vector<16xf32>
        %gather3A_409 = tpu.vector_load_idx %arg9[%add3A_211, %add3A_10, %and3A_402] : memref<2x80x128xf32, #tpu.memory_space<vmem>>[vector<16xi32>, vector<16xi32>, vector<16xi32>], vector<16xf32>,
        %gather3A_410 = tpu.vector_load_idx %arg10[%add3A_211, %add3A_10, %and3A_402] : memref<2x80x128xf32, #tpu.memory_space<vmem>>[vector<16xi32>, vector<16xi32>, vector<16xi32>], vector<16xf32>,
        %mul3A_411 = arith.mulf %gather3A_409, %gather3A_410 : vector<16xf32>
        %mul3A_412 = arith.mulf %mul3A_411, %gather3A_403 : vector<16xf32>
        %add3A_413 = arith.addf %add3A_381, %mul3A_412 : vector<16xf32>
        %gather3A_414 = tpu.vector_load_idx %arg9[%add3A_211, %add3A_13, %and3A_402] : memref<2x80x128xf32, #tpu.memory_space<vmem>>[vector<16xi32>, vector<16xi32>, vector<16xi32>], vector<16xf32>,
        %gather3A_415 = tpu.vector_load_idx %arg10[%add3A_211, %add3A_13, %and3A_402] : memref<2x80x128xf32, #tpu.memory_space<vmem>>[vector<16xi32>, vector<16xi32>, vector<16xi32>], vector<16xf32>,
        %mul3A_416 = arith.mulf %gather3A_414, %gather3A_415 : vector<16xf32>
        %mul3A_417 = arith.mulf %mul3A_416, %gather3A_403 : vector<16xf32>
        %add3A_418 = arith.addf %add3A_386, %mul3A_417 : vector<16xf32>
        %gather3A_419 = tpu.vector_load_idx %arg9[%add3A_211, %add3A_16, %and3A_402] : memref<2x80x128xf32, #tpu.memory_space<vmem>>[vector<16xi32>, vector<16xi32>, vector<16xi32>], vector<16xf32>,
        %gather3A_420 = tpu.vector_load_idx %arg10[%add3A_211, %add3A_16, %and3A_402] : memref<2x80x128xf32, #tpu.memory_space<vmem>>[vector<16xi32>, vector<16xi32>, vector<16xi32>], vector<16xf32>,
        %mul3A_421 = arith.mulf %gather3A_419, %gather3A_420 : vector<16xf32>
        %mul3A_422 = arith.mulf %mul3A_421, %gather3A_403 : vector<16xf32>
        %add3A_423 = arith.addf %add3A_391, %mul3A_422 : vector<16xf32>
        %gather3A_424 = tpu.vector_load_idx %arg9[%add3A_211, %add3A_19, %and3A_402] : memref<2x80x128xf32, #tpu.memory_space<vmem>>[vector<16xi32>, vector<16xi32>, vector<16xi32>], vector<16xf32>,
        %gather3A_425 = tpu.vector_load_idx %arg10[%add3A_211, %add3A_19, %and3A_402] : memref<2x80x128xf32, #tpu.memory_space<vmem>>[vector<16xi32>, vector<16xi32>, vector<16xi32>], vector<16xf32>,
        %mul3A_426 = arith.mulf %gather3A_424, %gather3A_425 : vector<16xf32>
        %mul3A_427 = arith.mulf %mul3A_426, %gather3A_403 : vector<16xf32>
        %add3A_428 = arith.addf %add3A_396, %mul3A_427 : vector<16xf32>
        %add3A_429 = arith.constant 1 : i32
        %add3A_430 = vector.broadcast %add3A_429 : i32 to vector<16xi32>
        %add3A_431 = arith.addi %and3A_402, %add3A_430 : vector<16xi32>
        %and3A_432 = arith.constant 127 : i32
        %and3A_433 = vector.broadcast %and3A_432 : i32 to vector<16xi32>
        %and3A_434 = arith.andi %add3A_431, %and3A_433 : vector<16xi32>
        scf.yield %and3A_434, %add3A_408, %add3A_413, %add3A_418, %add3A_423, %add3A_428 : vector<16xi32>, vector<16xf32>, vector<16xf32>, vector<16xf32>, vector<16xf32>, vector<16xf32>
      }
      %scan3A_219 = arith.constant 32 : i32
      %broadcast_in_dim3A_220 = arith.constant 128 : i32
      %broadcast_in_dim3A_221 = vector.broadcast %broadcast_in_dim3A_220 : i32 to vector<16xi32>
      %gather3A = tpu.vector_load_idx %arg11[%broadcast_in_dim3A_221] : memref<144xf32, #tpu.memory_space<vmem>>[vector<16xi32>], vector<16xf32>,
      %add3A_222 = arith.addf %scan3A_218#1, %gather3A : vector<16xf32>
      %neg3A = arith.constant 0.000000e+00 : f32
      %neg3A_223 = vector.broadcast %neg3A : f32 to vector<16xf32>
      %neg3A_224 = arith.subf %neg3A_223, %add3A_222 : vector<16xf32>
      %exp3A = math.exp %neg3A_224 : vector<16xf32>
      %add3A_225 = arith.constant 1.000000e+00 : f32
      %add3A_226 = vector.broadcast %add3A_225 : f32 to vector<16xf32>
      %add3A_227 = arith.addf %add3A_226, %exp3A : vector<16xf32>
      %div3A = arith.constant 1.000000e+00 : f32
      %div3A_228 = vector.broadcast %div3A : f32 to vector<16xf32>
      %div3A_229 = arith.divf %div3A_228, %add3A_227 : vector<16xf32>
      %swap3A = arith.index_cast %rem3A_166 : i32 to index
      %swap3A_230 = arith.constant 0 : index
      %swap3A_231 = tpu.vector_load %arg12[%swap3A, %swap3A_230] {strides = array<i32>} : memref<2x80xf32, #tpu.memory_space<vmem>>, vector<16xf32>,
      tpu.vector_store %arg12[%swap3A, %swap3A_230], %div3A_229 {strides = array<i32>} : memref<2x80xf32, #tpu.memory_space<vmem>>, vector<16xf32>,
      %add3A_232 = arith.addf %scan3A_218#2, %gather3A : vector<16xf32>
      %neg3A_233 = arith.constant 0.000000e+00 : f32
      %neg3A_234 = vector.broadcast %neg3A_233 : f32 to vector<16xf32>
      %neg3A_235 = arith.subf %neg3A_234, %add3A_232 : vector<16xf32>
      %exp3A_236 = math.exp %neg3A_235 : vector<16xf32>
      %add3A_237 = arith.constant 1.000000e+00 : f32
      %add3A_238 = vector.broadcast %add3A_237 : f32 to vector<16xf32>
      %add3A_239 = arith.addf %add3A_238, %exp3A_236 : vector<16xf32>
      %div3A_240 = arith.constant 1.000000e+00 : f32
      %div3A_241 = vector.broadcast %div3A_240 : f32 to vector<16xf32>
      %div3A_242 = arith.divf %div3A_241, %add3A_239 : vector<16xf32>
      %swap3A_243 = arith.index_cast %rem3A_166 : i32 to index
      %swap3A_244 = arith.constant 16 : index
      %swap3A_245 = tpu.vector_load %arg12[%swap3A_243, %swap3A_244] {strides = array<i32>} : memref<2x80xf32, #tpu.memory_space<vmem>>, vector<16xf32>,
      tpu.vector_store %arg12[%swap3A_243, %swap3A_244], %div3A_242 {strides = array<i32>} : memref<2x80xf32, #tpu.memory_space<vmem>>, vector<16xf32>,
      %add3A_246 = arith.addf %scan3A_218#3, %gather3A : vector<16xf32>
      %neg3A_247 = arith.constant 0.000000e+00 : f32
      %neg3A_248 = vector.broadcast %neg3A_247 : f32 to vector<16xf32>
      %neg3A_249 = arith.subf %neg3A_248, %add3A_246 : vector<16xf32>
      %exp3A_250 = math.exp %neg3A_249 : vector<16xf32>
      %add3A_251 = arith.constant 1.000000e+00 : f32
      %add3A_252 = vector.broadcast %add3A_251 : f32 to vector<16xf32>
      %add3A_253 = arith.addf %add3A_252, %exp3A_250 : vector<16xf32>
      %div3A_254 = arith.constant 1.000000e+00 : f32
      %div3A_255 = vector.broadcast %div3A_254 : f32 to vector<16xf32>
      %div3A_256 = arith.divf %div3A_255, %add3A_253 : vector<16xf32>
      %swap3A_257 = arith.index_cast %rem3A_166 : i32 to index
      %swap3A_258 = arith.constant 32 : index
      %swap3A_259 = tpu.vector_load %arg12[%swap3A_257, %swap3A_258] {strides = array<i32>} : memref<2x80xf32, #tpu.memory_space<vmem>>, vector<16xf32>,
      tpu.vector_store %arg12[%swap3A_257, %swap3A_258], %div3A_256 {strides = array<i32>} : memref<2x80xf32, #tpu.memory_space<vmem>>, vector<16xf32>,
      %add3A_260 = arith.addf %scan3A_218#4, %gather3A : vector<16xf32>
      %neg3A_261 = arith.constant 0.000000e+00 : f32
      %neg3A_262 = vector.broadcast %neg3A_261 : f32 to vector<16xf32>
      %neg3A_263 = arith.subf %neg3A_262, %add3A_260 : vector<16xf32>
      %exp3A_264 = math.exp %neg3A_263 : vector<16xf32>
      %add3A_265 = arith.constant 1.000000e+00 : f32
      %add3A_266 = vector.broadcast %add3A_265 : f32 to vector<16xf32>
      %add3A_267 = arith.addf %add3A_266, %exp3A_264 : vector<16xf32>
      %div3A_268 = arith.constant 1.000000e+00 : f32
      %div3A_269 = vector.broadcast %div3A_268 : f32 to vector<16xf32>
      %div3A_270 = arith.divf %div3A_269, %add3A_267 : vector<16xf32>
      %swap3A_271 = arith.index_cast %rem3A_166 : i32 to index
      %swap3A_272 = arith.constant 48 : index
      %swap3A_273 = tpu.vector_load %arg12[%swap3A_271, %swap3A_272] {strides = array<i32>} : memref<2x80xf32, #tpu.memory_space<vmem>>, vector<16xf32>,
      tpu.vector_store %arg12[%swap3A_271, %swap3A_272], %div3A_270 {strides = array<i32>} : memref<2x80xf32, #tpu.memory_space<vmem>>, vector<16xf32>,
      %add3A_274 = arith.addf %scan3A_218#5, %gather3A : vector<16xf32>
      %neg3A_275 = arith.constant 0.000000e+00 : f32
      %neg3A_276 = vector.broadcast %neg3A_275 : f32 to vector<16xf32>
      %neg3A_277 = arith.subf %neg3A_276, %add3A_274 : vector<16xf32>
      %exp3A_278 = math.exp %neg3A_277 : vector<16xf32>
      %add3A_279 = arith.constant 1.000000e+00 : f32
      %add3A_280 = vector.broadcast %add3A_279 : f32 to vector<16xf32>
      %add3A_281 = arith.addf %add3A_280, %exp3A_278 : vector<16xf32>
      %div3A_282 = arith.constant 1.000000e+00 : f32
      %div3A_283 = vector.broadcast %div3A_282 : f32 to vector<16xf32>
      %div3A_284 = arith.divf %div3A_283, %add3A_281 : vector<16xf32>
      %swap3A_285 = arith.index_cast %rem3A_166 : i32 to index
      %swap3A_286 = arith.constant 64 : index
      %swap3A_287 = tpu.vector_load %arg12[%swap3A_285, %swap3A_286] {strides = array<i32>} : memref<2x80xf32, #tpu.memory_space<vmem>>, vector<16xf32>,
      tpu.vector_store %arg12[%swap3A_285, %swap3A_286], %div3A_284 {strides = array<i32>} : memref<2x80xf32, #tpu.memory_space<vmem>>, vector<16xf32>,
      %mul3A_288 = arith.constant 80 : i32
      %mul3A_289 = arith.muli %scan3A_165, %mul3A_288 : i32
      %add3A_290 = arith.addi %mul3A_2, %mul3A_289 : i32
      %dma_start3A_291 = arith.constant 0 : i32
      %dma_start3A_292 = tpu.memref_slice %arg12[%rem3A_166, %dma_start3A_291] : memref<2x80xf32, #tpu.memory_space<vmem>> -> memref<1x80xf32, #tpu.memory_space<vmem>>
      %dma_start3A_293 = tpu.memref_squeeze %dma_start3A_292 : memref<1x80xf32, #tpu.memory_space<vmem>> -> memref<80xf32, #tpu.memory_space<vmem>>
      %dma_start3A_294 = tpu.memref_slice %arg6[%add3A_290] : memref<320000xf32, #tpu.memory_space<hbm>> -> memref<80xf32, #tpu.memory_space<hbm>>
      %dma_start3A_295 = tpu.memref_slice %arg16[%rem3A_166] : memref<2x!tpu.dma_semaphore, #tpu.memory_space<semaphore_mem>> -> memref<1x!tpu.dma_semaphore, #tpu.memory_space<semaphore_mem>>
      %dma_start3A_296 = tpu.memref_squeeze %dma_start3A_295 : memref<1x!tpu.dma_semaphore, #tpu.memory_space<semaphore_mem>> -> memref<!tpu.dma_semaphore, #tpu.memory_space<semaphore_mem>>
      %dma_start3A_297 = tpu.memref_slice %arg6[%add3A_290] : memref<320000xf32, #tpu.memory_space<hbm>> -> memref<80xf32, #tpu.memory_space<hbm>>
      %dma_start3A_298 = arith.constant 0 : i32
      %dma_start3A_299 = tpu.memref_slice %arg12[%rem3A_166, %dma_start3A_298] : memref<2x80xf32, #tpu.memory_space<vmem>> -> memref<1x80xf32, #tpu.memory_space<vmem>>
      %dma_start3A_300 = tpu.memref_squeeze %dma_start3A_299 : memref<1x80xf32, #tpu.memory_space<vmem>> -> memref<80xf32, #tpu.memory_space<vmem>>
      tpu.enqueue_dma source(%dma_start3A_300 : memref<80xf32, #tpu.memory_space<vmem>>) target(%dma_start3A_297 : memref<80xf32, #tpu.memory_space<hbm>>) target_semaphore(%dma_start3A_296 : memref<!tpu.dma_semaphore, #tpu.memory_space<semaphore_mem>>)
    }
    %scan3A_136 = arith.constant 125 : i32
    %add3A_137 = arith.constant 9840 : i32
    %add3A_138 = arith.addi %mul3A_2, %add3A_137 : i32
    %dma_wait3A_139 = arith.constant 1 : i32
    %dma_wait3A_140 = arith.constant 1 : i32
    %dma_wait3A_141 = arith.constant 0 : i32
    %dma_wait3A_142 = tpu.memref_slice %arg12[%dma_wait3A_139, %dma_wait3A_141] : memref<2x80xf32, #tpu.memory_space<vmem>> -> memref<1x80xf32, #tpu.memory_space<vmem>>
    %dma_wait3A_143 = tpu.memref_squeeze %dma_wait3A_142 : memref<1x80xf32, #tpu.memory_space<vmem>> -> memref<80xf32, #tpu.memory_space<vmem>>
    %dma_wait3A_144 = tpu.memref_slice %arg6[%add3A_138] : memref<320000xf32, #tpu.memory_space<hbm>> -> memref<80xf32, #tpu.memory_space<hbm>>
    %dma_wait3A_145 = tpu.memref_slice %arg16[%dma_wait3A_140] : memref<2x!tpu.dma_semaphore, #tpu.memory_space<semaphore_mem>> -> memref<1x!tpu.dma_semaphore, #tpu.memory_space<semaphore_mem>>
    %dma_wait3A_146 = tpu.memref_squeeze %dma_wait3A_145 : memref<1x!tpu.dma_semaphore, #tpu.memory_space<semaphore_mem>> -> memref<!tpu.dma_semaphore, #tpu.memory_space<semaphore_mem>>
    %dma_wait3A_147 = tpu.memref_slice %arg6[%add3A_138] : memref<320000xf32, #tpu.memory_space<hbm>> -> memref<80xf32, #tpu.memory_space<hbm>>
    %dma_wait3A_148 = arith.constant 0 : i32
    %dma_wait3A_149 = tpu.memref_slice %arg12[%dma_wait3A_139, %dma_wait3A_148] : memref<2x80xf32, #tpu.memory_space<vmem>> -> memref<1x80xf32, #tpu.memory_space<vmem>>
    %dma_wait3A_150 = tpu.memref_squeeze %dma_wait3A_149 : memref<1x80xf32, #tpu.memory_space<vmem>> -> memref<80xf32, #tpu.memory_space<vmem>>
    tpu.wait_dma2 semaphore(%dma_wait3A_146 : memref<!tpu.dma_semaphore, #tpu.memory_space<semaphore_mem>>) src(%dma_wait3A_150 : memref<80xf32, #tpu.memory_space<vmem>>) dst(%dma_wait3A_147 : memref<80xf32, #tpu.memory_space<hbm>>)
    %add3A_151 = arith.constant 9920 : i32
    %add3A_152 = arith.addi %mul3A_2, %add3A_151 : i32
    %dma_wait3A_153 = arith.constant 0 : i32
    %dma_wait3A_154 = arith.constant 0 : i32
    %dma_wait3A_155 = arith.constant 0 : i32
    %dma_wait3A_156 = tpu.memref_slice %arg12[%dma_wait3A_153, %dma_wait3A_155] : memref<2x80xf32, #tpu.memory_space<vmem>> -> memref<1x80xf32, #tpu.memory_space<vmem>>
    %dma_wait3A_157 = tpu.memref_squeeze %dma_wait3A_156 : memref<1x80xf32, #tpu.memory_space<vmem>> -> memref<80xf32, #tpu.memory_space<vmem>>
    %dma_wait3A_158 = tpu.memref_slice %arg6[%add3A_152] : memref<320000xf32, #tpu.memory_space<hbm>> -> memref<80xf32, #tpu.memory_space<hbm>>
    %dma_wait3A_159 = tpu.memref_slice %arg16[%dma_wait3A_154] : memref<2x!tpu.dma_semaphore, #tpu.memory_space<semaphore_mem>> -> memref<1x!tpu.dma_semaphore, #tpu.memory_space<semaphore_mem>>
    %dma_wait3A_160 = tpu.memref_squeeze %dma_wait3A_159 : memref<1x!tpu.dma_semaphore, #tpu.memory_space<semaphore_mem>> -> memref<!tpu.dma_semaphore, #tpu.memory_space<semaphore_mem>>
    %dma_wait3A_161 = tpu.memref_slice %arg6[%add3A_152] : memref<320000xf32, #tpu.memory_space<hbm>> -> memref<80xf32, #tpu.memory_space<hbm>>
    %dma_wait3A_162 = arith.constant 0 : i32
    %dma_wait3A_163 = tpu.memref_slice %arg12[%dma_wait3A_153, %dma_wait3A_162] : memref<2x80xf32, #tpu.memory_space<vmem>> -> memref<1x80xf32, #tpu.memory_space<vmem>>
    %dma_wait3A_164 = tpu.memref_squeeze %dma_wait3A_163 : memref<1x80xf32, #tpu.memory_space<vmem>> -> memref<80xf32, #tpu.memory_space<vmem>>
    tpu.wait_dma2 semaphore(%dma_wait3A_160 : memref<!tpu.dma_semaphore, #tpu.memory_space<semaphore_mem>>) src(%dma_wait3A_164 : memref<80xf32, #tpu.memory_space<vmem>>) dst(%dma_wait3A_161 : memref<80xf32, #tpu.memory_space<hbm>>)
    return
  }
}

</mosaic_0001>

<sc_bundles>
// kernel: kernel.3.cloned.1.call-start
scs
__scs_entry_jumppad:
0x0: {  	(pc) =	sbr.rel $0x88, $3  }
0x1: {  	(tag) =	ssettag $0x0;
	lr =	simm.s32 $0x1  }
0x2: {  	[smem:$0x3F9D] =	sst lr;
	_ =	strace $0xD0000000  }
0x3: {  	_ = 	snop  }
0x4: {  	_ = 	snop  }
0x5: {  	_ = 	snop  }
0x6: {  	_ = 	snop  }
0x7: {  	_ = 	snop  }
__scs_overlays_trampoline_lowered:
0x8: {  	[smem:$0x3FAC] =	sst s0  }
0x9: {  	[smem:$0x3FAD] =	sst s1  }
0xa: {  	[smem:$0x3FAE] =	sst s2  }
0xb: {  	[smem:$0x3FAF] =	sst s3  }
0xc: {  	[smem:$0x3FB0] =	sst s4  }
0xd: {  	[smem:$0x3FB1] =	sst s5  }
0xe: {  	[smem:$0x3FB2] =	sst s6  }
0xf: {  	[smem:$0x3FB3] =	sst s7  }
0x10: {  	[smem:$0x3FB4] =	sst s8  }
0x11: {  	[smem:$0x3FB5] =	sst s9;
	s0 =	simm.s32 @!p0 $0x0  }
0x12: {  	s1 =	sld [smem:$0x3F9B];
	s0 =	simm.s32 @p0 $0x1  }
0x13: {  	[smem:$0x3FB6] =	sst s0;
	s0 =	simm.s32 @!p1 $0x0  }
0x14: {  	s2 =	sld [smem:$0x3F9A];
	s0 =	simm.s32 @p1 $0x1  }
0x15: {  	[smem:$0x3FB7] =	sst s0;
	s0 =	simm.s32 @!p2 $0x0  }
0x16: {  	s3 =	sld [smem:$0x3FDB];
	s0 =	simm.s32 @p2 $0x1  }
0x17: {  	s4 =	simm.s32 $0x1BF5;
	[smem:$0x3FB9] =	sst s0  }
0x18: {  	s0 =	sld [smem:$0x3F9C];
	_ =	swait.ge [sflag:s4], $0x0  }
0x19: {  	s7 =	sld [smem:$0x3F9D]  }
0x1a: {  	s8 =	sadd.s32 $0xFFFFE003, lr  }
0x1b: {  	s9 =	sadd.s32 $0xFFFFFEF7, lr;
	s5 =	simm.s32 $0xFFFFFFFF;
	p2 =	slt.u32 s8, $0xFFFFF086  }
0x1c: {  	p1 =	slt.u32 s9, $0xF7A;
	s5 =	simm.s32 @!p2 $0x0  }
0x1d: {  	s5 =	simm.s32 @p1 $0x1;
	p0 =	seq.s32 s7, s2  }
0x1e: {  	s7 =	smul.u32 @!p0 $0xF7A, s2;
	p2 =	seq.s32 @!p0 s5, $0x0  }
0x1f: {  	s9 =	smul.u32 $0xF7A, s1;
	s8 =	simm.s32 @!p0 $0x1BF5;
	p2 =	por !p2, p0  }
0x20: {  	[sflag:s8] =	ssyncset.s32 @!p0 $0xFFFFF086;
	s6 =	sadd.s32 @!p0 s3, s7;
	s7 =	simm.s32 @!p0 $0x108  }
0x21: {  	s3 =	sadd.s32 s3, s9;
	s6 =	sadd.s32 @!p0 $0x88, s6;
	s7 =	simm.s32 @p2 $0x1082  }
0x22: {  	[simem:s7], [sflag:s8] =	dma.local @!p0 [hbm:s6], $0xF7A  }
0x23: {  	s9 =	sor.u32 $0xD0000000, s2;
	s6 =	simm.s32 $0x108;
	_ =	swait.ge @!p0 [sflag:s8], $0x0  }
0x24: {  	s3 =	sadd.s32 $0x88, s3;
	s6 =	simm.s32 @!p1 $0x1082;
	[sflag:s4] =	ssyncset.s32 $0xFFFFF086  }
0x25: {  	[simem:s6], [sflag:s4] =	dma.local [hbm:s3], $0xF7A  }
0x26: {  	[smem:$0x3F9D] =	sst s1;
	(tag) =	ssettag s2;
	_ =	strace s9  }
0x27: {  	s1 =	sld [smem:$0x3FAD]  }
0x28: {  	s2 =	sld [smem:$0x3FAE]  }
0x29: {  	s4 =	sld [smem:$0x3FB0]  }
0x2a: {  	p0 =	seq.s32 s5, $0x0;
	s5 =	sld [smem:$0x3FB1]  }
0x2b: {  	s6 =	sld [smem:$0x3FB2]  }
0x2c: {  	s7 =	sld [smem:$0x3FB3]  }
0x2d: {  	s3 =	simm.s32 $0x108;
	s8 =	sld [smem:$0x3FB4]  }
0x2e: {  	s3 =	simm.s32 @!p0 $0x1082;
	s9 =	sld [smem:$0x3FB5]  }
0x2f: {  	lr =	sadd.s32 s0, s3;
	s0 =	sld [smem:$0x3FAC]  }
0x30: {  	s3 =	sld [smem:$0x3FAF]  }
0x31: {  	[smem:$0x3FB8] =	sst s10  }
0x32: {  	s10 =	sld [smem:$0x3FB6];
	_ =	sdelay $0x3  }
0x33: {  	p0 =	seq.s32 s10, $0x1;
	s10 =	sld [smem:$0x3FB8];
	_ =	sdelay $0x3  }
0x34: {  	[smem:$0x3FB8] =	sst s10  }
0x35: {  	s10 =	sld [smem:$0x3FB7];
	_ =	sdelay $0x3  }
0x36: {  	p1 =	seq.s32 s10, $0x1;
	s10 =	sld [smem:$0x3FB8];
	_ =	sdelay $0x3  }
0x37: {  	[smem:$0x3FB8] =	sst s10  }
0x38: {  	s10 =	sld [smem:$0x3FB9]  }
0x39: {  	_ = 	snop;
	(pc) =	sbr.ind lr, $3  }
0x3a: {  	_ = 	snop  }
0x3b: {  	_ = 	snop  }
0x3c: {  	p2 =	seq.s32 s10, $0x1;
	s10 =	sld [smem:$0x3FB8]  }
0x3d: {  	_ =	shalt  }
0x3e: {  	_ =	shalt  }
0x3f: {  	_ =	shalt  }
0x40: {  	_ =	shalt  }
0x41: {  	_ =	shalt  }
0x42: {  	_ =	shalt  }
0x43: {  	_ =	shalt  }
0x44: {  	_ =	shalt  }
0x45: {  	_ =	shalt  }
0x46: {  	_ =	shalt  }
0x47: {  	_ =	shalt  }
0x48: {  	_ =	shalt  }
0x49: {  	_ =	shalt  }
0x4a: {  	_ =	shalt  }
0x4b: {  	_ =	shalt  }
0x4c: {  	_ =	shalt  }
0x4d: {  	_ =	shalt  }
0x4e: {  	_ =	shalt  }
0x4f: {  	_ =	shalt  }
0x50: {  	_ =	shalt  }
0x51: {  	_ =	shalt  }
0x52: {  	_ =	shalt  }
0x53: {  	_ =	shalt  }
0x54: {  	_ =	shalt  }
0x55: {  	_ =	shalt  }
0x56: {  	_ =	shalt  }
0x57: {  	_ =	shalt  }
0x58: {  	_ =	shalt  }
0x59: {  	_ =	shalt  }
0x5a: {  	_ =	shalt  }
0x5b: {  	_ =	shalt  }
0x5c: {  	_ =	shalt  }
0x5d: {  	_ =	shalt  }
0x5e: {  	_ =	shalt  }
0x5f: {  	_ =	shalt  }
0x60: {  	_ =	shalt  }
0x61: {  	_ =	shalt  }
0x62: {  	_ =	shalt  }
0x63: {  	_ =	shalt  }
0x64: {  	_ =	shalt  }
0x65: {  	_ =	shalt  }
0x66: {  	_ =	shalt  }
0x67: {  	_ =	shalt  }
0x68: {  	_ =	shalt  }
0x69: {  	_ =	shalt  }
0x6a: {  	_ =	shalt  }
0x6b: {  	_ =	shalt  }
0x6c: {  	_ =	shalt  }
0x6d: {  	_ =	shalt  }
0x6e: {  	_ =	shalt  }
0x6f: {  	_ =	shalt  }
0x70: {  	_ =	shalt  }
0x71: {  	_ =	shalt  }
0x72: {  	_ =	shalt  }
0x73: {  	_ =	shalt  }
0x74: {  	_ =	shalt  }
0x75: {  	_ =	shalt  }
0x76: {  	_ =	shalt  }
0x77: {  	_ =	shalt  }
0x78: {  	_ =	shalt  }
0x79: {  	_ =	shalt  }
0x7a: {  	_ =	shalt  }
0x7b: {  	_ =	shalt  }
0x7c: {  	_ =	shalt  }
0x7d: {  	_ =	shalt  }
0x7e: {  	_ =	shalt  }
0x7f: {  	_ =	shalt  }
0x80: {  	_ =	shalt  }
0x81: {  	_ =	shalt  }
0x82: {  	_ =	shalt  }
0x83: {  	_ =	shalt  }
0x84: {  	_ =	shalt  }
0x85: {  	_ =	shalt  }
0x86: {  	_ =	shalt  }
0x87: {  	_ =	shalt  }
.Lfunc_end0:
.L_simem_size_0:
called_computation_lowered:
.L_overlay_start_0:
0x88: {  	s2 =	sld [smem:$0x3FD9]  }
0x89: {  	s3 =	sld [smem:$0x3FFE];
	_ =	sdelay $0x1  }
0x8a: {  	s1 =	srdreg.scid  }
0x8b: {  	s0 =	sand.u32 $0x1, s1  }
0x8c: {  	s17 =	sshll.u32 s0, $0xA;
	s2 =	sadd.s32 s3, s2  }
0x8d: {  	s2 =	sadd.s32 s2, s17  }
0x8e: {  	[smem:$0x3FC4] =	sst s2  }
0x8f: {  	_ = 	snop  }
0x90: {  	s2 =	sld [smem:$0x3FD0];
	(tm) =	ssettm $0x1  }
0x91: {  	s18 =	sld [smem:$0x3FFB];
	_ =	sdelay $0x3  }
0x92: {  	_ =	strace s18  }
0x93: {  	s3 =	sld [smem:$0x3FFC];
	_ =	sdelay $0x3  }
0x94: {  	_ =	strace s3  }
0x95: {  	s3 =	sld [smem:$0x3FFD];
	_ =	sdelay $0x3  }
0x96: {  	_ =	strace s3  }
0x97: {  	_ =	strace $0x8FFFFFFF  }
0x98: {  	s19 =	sld [smem:$0x3FDB];
	_ =	sdelay $0x1  }
0x99: {  	s4 =	simm.s32 $_scs_section_size  }
0x9a: {  	s5 =	simm.s32 $_size__tile_overlayer_lowered;
	s6 =	simm.s32 $_tile_overlayer_lowered  }
0x9b: {  	s22 =	simm.s32 $0x1BFF;
	s21 =	sshll.u32 s6, $0x1;
	s3 =	sadd.s32 s4, s19  }
0x9c: {  	s7 =	simm.s32 $0x0;
	s20 =	sshll.u32 s5, $0x1;
	s5 =	sadd.s32 s21, s3  }
0x9d: {  	[timem:s7], [sflag:s22] =	dma.local [hbm:s5], s20  }
0x9e: {  	_ =	swait.ge [sflag:s22], s20  }
0x9f: {  	s4 =	ssub.s32 $0x0, s20;
	[sflag:s22] =	ssyncset.done $0x0  }
0xa0: {  	[sflag:s22] =	ssyncadd.s32 s4;
	_ =	sdelay $0x1  }
0xa1: {  	s23 =	simm.s32 $0x1B8B  }
0xa2: {  	_ =	swait.ge [sflag:s23], $0x1  }
0xa3: {  	[sflag:s23] =	ssyncset.done $0x0  }
0xa4: {  	s25 =	simm.s32 $0x1B8E;
	s24 =	sld [smem:$0x3FFE];
	[sflag:s23] =	ssyncadd.s32 $0xFFFFFFFF  }
0xa5: {  	s26 =	simm.s32 $execute0_lowered;
	[smem:$0x3FD2] =	sst s25  }
0xa6: {  	s5 =	sshll.u32 s26, $0x1;
	_ =	strace $0x80000046;
	[dreg:$0x1] =	wrdreg $0xFFFFFFFF  }
0xa7: {  	s28 =	simm.s32 $_size_execute0_lowered;
	s3 =	sadd.s32 s3, s5;
	[dreg:$0x0] =	wrdreg $0x0  }
0xa8: {  	s5 =	sshll.u32 s28, $0x1;
	[dreg:$0x2] =	wrdreg s3  }
0xa9: {  	[dreg:$0x3] =	wrdreg s5  }
0xaa: {  	[dreg:$0x4] =	wrdreg $0xC0  }
0xab: {  	_ =	task [dreg:s7], $0x5FFFF  }
0xac: {  	[dreg:$0x1] =	wrdreg $0xFFFFFFFF  }
0xad: {  	[dreg:$0x0] =	wrdreg $0x60  }
0xae: {  	[dreg:$0x2] =	wrdreg s24  }
0xaf: {  	[dreg:$0x3] =	wrdreg s2  }
0xb0: {  	[dreg:$0x4] =	wrdreg $0x0  }
0xb1: {  	[dreg:$0x5] =	wrdreg $0x9  }
0xb2: {  	_ =	task.clear_ibuf [dreg:s7], $0x6FFFF;
	_ =	strace $0x90000046  }
0xb3: {  	s29 =	simm.s32 $0x9;
	_ =	strace $0x80000048  }
0xb4: {  	_ =	swait.ge [sflag:s29], $0x1  }
0xb5: {  	[sflag:s29] =	ssyncadd.s32 $0xFFFFFFFF  }
0xb6: {  	_ =	strace $0x90000048  }
0xb7: {  	_ =	sfence  }
0xb8: {  	s30 =	sld [smem:$0x0];
	_ =	sdelay $0x2  }
0xb9: {  	s31 =	sshll.u32 s1, $0xD;
	s1 =	sshrl.u32 s1, $0x2  }
0xba: {  	s3 =	sand.u32 $0x4000, s31;
	s1 =	sadd.s32 s1, s30  }
0xbb: {  	s0 =	sor.u32 s3, s0;
	s1 =	sshll.u32 s1, $0x11  }
0xbc: {  	s0 =	sor.u32 s1, s0  }
0xbd: {  	s0 =	sadd.s32 $0x8F2B, s0  }
0xbe: {  	[sflag:s0] =	ssyncadd.remote.s32 $0x1  }
0xbf: {  	_ =	sfence.sel $0xFFFF  }
0xc0: {  	[dreg:$0x0] =	wrdreg $0xFFFFFFFF;
	(pc) =	sbr.abs _section_cstart, $3  }
0xc1: {  	[dreg:$0x1] =	wrdreg $0xFFFFFFFF  }
0xc2: {  	_ =	task.clear_ibuf [dreg:s7], $0x2FFFF;
	_ =	strace $0x9FFFFFFF  }
0xc3: {  	(tm) =	ssettm $0x7FFFFFFF  }
tec
execute0_lowered:
.L_overlay_start_1:
0x0: {  	(tag) =	ssettag $0x1  }
0x1: {  	s1 =	rddreg [dreg:$0x0]  }
0x2: {  	s2 =	rddreg [dreg:$0x1]  }
0x3: {  	s3 =	rddreg [dreg:$0x2];
	s5 =	simm.s32 $0x0;
	s0 =	srdreg.scid  }
0x4: {  	s11 =	stileid.u32;
	s19 =	simm.s32 $0x9;
	s20 =	simm.s32 $0x1E200  }
0x5: {  	s21 =	simm.s32 $0x14000;
	s22 =	simm.s32 $0x14080;
	s30 =	simm.s32 $0x8  }
0x6: {  	s31 =	simm.s32 $0x7;
	[smem:$0x7FF] =	sst s5;
	s6 =	sadd.s32 $0x13C00, s1  }
0x7: {  	s0 =	sand.u32 $0x1, s0;
	s4 =	sshll.u32 s11, $0x1;
	s8 =	smul.u32 $0x50000, s11  }
0x8: {  	s7 =	sadd.s32 $0x9E00, s1;
	s9 =	sadd.s32 $0x3BC00, s1;
	s10 =	smul.u32 $0x2800, s11  }
0x9: {  	s25 =	sshll.u32 s11, $0x6;
	_ =	strace $0x80000047;
	s4 =	sor.u32 s0, s4  }
0xa: {  	[dreg:$0x4] =	wrdreg s9;
	s0 =	ssub.s32 $0x2, s0;
	s9 =	smul.u32 $0x2710, s4  }
0xb: {  	s23 =	sshrl.u32 s0, $0x1;
	s8 =	sshrl.u32 s8, $0x2;
	s10 =	sadd.s32 s6, s10  }
0xc: {  	s0 =	ssub.s32 s0, s23;
	s24 =	sadd.s32 s8, s3;
	[dreg:$0x5] =	wrdreg s10  }
0xd: {  	s8 =	sor.u32 $0x1C09, s25;
	s23 =	simm.s32 $0x1;
	s25 =	simm.s32 $0x14200  }
0xe: {  	[dreg:$0x6] =	wrdreg s8;
	s26 =	sshrl.u32 s9, $0x3;
	s16 =	sadd.s32 $0xA0, s9  }
0xf: {  	s17 =	smax.u32 s0, $0x1;
	s18 =	sshrl.u32 s24, $0x3;
	s24 =	simm.s32 $0x50  }
0x10: {  	s0 =	simm.s32 $0x0;
	s28 =	sadd.s32 s7, s26;
	s29 =	sadd.s32 s1, s26  }
0x11: {  	s8 =	sadd.s32 $0xA, s26;
	s26 =	simm.s32 $0x19200;
	[dreg:$0x7] =	wrdreg s28  }
0x12: {  	v0 =	vimm.s32 $0x80;
	[dreg:$0x8] =	wrdreg s29;
	s14 =	sadd.s32 s7, s8;
	s15 =	sadd.s32 s1, s8  }
.LBB2_1:
0x13: {  	s4 =	rddreg [dreg:$0x5]  }
0x14: {  	s8 =	rddreg [dreg:$0x6]  }
0x15: {  	[spmem:s18], [sflag:s8] =	dma.local [hbm:s4], $0x2800  }
0x16: {  	_ =	swait.ge [sflag:s19], $0x2800  }
0x17: {  	[sflag:s19] =	ssyncset.done $0x0  }
0x18: {  	s10 =	rddreg [dreg:$0x4];
	[sflag:s19] =	ssyncadd.s32 $0xFFFFD800  }
0x19: {  	[tilespmem:s20], [sflag:$0x9] =	stream.linear.gather [hbm4b:s10+s5], $0x100, $0x38;
	[tilespmem:$0x1E400] =	vst v63  }
0x1a: {  	_ =	swait.ge [sflag:s19], $0x100  }
0x1b: {  	[sflag:s19] =	ssyncset.done $0x0  }
0x1c: {  	[sflag:s19] =	ssyncadd.s32 $0xFFFFFF00  }
0x1d: {  	[bflag:$0x0] =	sbarrier.arrive $0xFFFF  }
0x1e: {  	s11 =	rddreg [dreg:$0x7]  }
0x1f: {  	[tilespmem:s21], [sflag:$0x1] =	stream.linear.gather [hbm4b:s11+s5], $0x50, $0x38;
	[tilespmem:$0x1E400] =	vst v63  }
0x20: {  	s12 =	rddreg [dreg:$0x8]  }
0x21: {  	[tilespmem:s22], [sflag:$0x1] =	stream.linear.gather [hbm4b:s12+s5], $0x50, $0x38;
	[tilespmem:$0x1E400] =	vst v63  }
0x22: {  	_ =	swait.ge [sflag:s23], $0x50  }
0x23: {  	[sflag:s23] =	ssyncset.done $0x0  }
0x24: {  	[sflag:s23] =	ssyncadd.s32 $0xFFFFFFB0  }
0x25: {  	_ =	swait.ge [sflag:s23], $0x50  }
0x26: {  	[sflag:s23] =	ssyncset.done $0x0  }
0x27: {  	[sflag:s23] =	ssyncadd.s32 $0xFFFFFFB0  }
0x28: {  	[tilespmem:s25], [sflag:$0x3] =	stream.indirect.gather [hbm4b:s6+s24], $0x80, s21, s24, $0xb8;
	[tilespmem:$0x1E400] =	vst v63  }
0x29: {  	_ = 	snop  }
0x2a: {  	[tilespmem:s26], [sflag:$0x5] =	stream.indirect.gather [spmem:s3], $0x80, s22, s24, $0xb8;
	[tilespmem:$0x1E400] =	vst v63  }
0x2b: {  	s13 =	simm.s32 $0x14100  }
0x2c: {  	[tilespmem:s13], [sflag:$0x2] =	stream.linear.gather [hbm4b:s14+s5], $0x50, $0x38;
	[tilespmem:$0x1E400] =	vst v63  }
0x2d: {  	s29 =	simm.s32 $0x14180;
	s28 =	simm.s32 $0x0  }
0x2e: {  	[tilespmem:s29], [sflag:$0x2] =	stream.linear.gather [hbm4b:s15+s5], $0x50, $0x38;
	[tilespmem:$0x1E400] =	vst v63  }
.LBB2_2:
0x2f: {  	p0 =	seq.s32 s28, $0x7C  }
.Ltmp0:
0x30: {  	_ = 	snop;
	(pc) =	sbr.rel @!p0 .LBB2_3-.Ltmp0, $3  }
0x31: {  	_ =	sdelay $0x1  }
0x32: {  	s4 =	sand.u32 $0x1, s28  }
0x33: {  	s29 =	sadd.s32 $0x3, s4;
	s8 =	sadd.s32 $0x5, s4  }
0x34: {  	_ =	swait.ge [sflag:s29], $0x2800  }
.Ltmp1:
0x35: {  	[sflag:s29] =	ssyncset.done $0x0;
	(pc) =	sbr.rel .LBB2_5-.Ltmp1, $4  }
0x36: {  	[sflag:s29] =	ssyncadd.s32 $0xFFFFD800  }
0x37: {  	_ =	swait.ge [sflag:s8], $0x2800  }
0x38: {  	[sflag:s8] =	ssyncset.done $0x0  }
0x39: {  	[sflag:s8] =	ssyncadd.s32 $0xFFFFD800  }
.LBB2_3:
0x3a: {  	s10 =	sxor.u32 $0x1, s4  }
0x3b: {  	s11 =	sadd.s32 $0x1, s10  }
0x3c: {  	_ =	swait.ge [sflag:s11], $0x50  }
0x3d: {  	[sflag:s11] =	ssyncset.done $0x0  }
0x3e: {  	[sflag:s11] =	ssyncadd.s32 $0xFFFFFFB0  }
0x3f: {  	_ =	swait.ge [sflag:s11], $0x50  }
0x40: {  	[sflag:s11] =	ssyncset.done $0x0  }
0x41: {  	[sflag:s11] =	ssyncadd.s32 $0xFFFFFFB0  }
0x42: {  	_ =	swait.ge [sflag:s29], $0x2800  }
0x43: {  	[sflag:s29] =	ssyncset.done $0x0  }
0x44: {  	[sflag:s29] =	ssyncadd.s32 $0xFFFFD800  }
0x45: {  	_ =	swait.ge [sflag:s8], $0x2800  }
0x46: {  	p0 =	slt.u32 s28, $0x7B;
	s11 =	smul.u32 $0x2800, s10;
	[sflag:s8] =	ssyncset.done $0x0  }
0x47: {  	s13 =	sadd.s32 $0x3, s10;
	[sflag:s8] =	ssyncadd.s32 $0xFFFFD800;
	s8 =	sshll.u32 s10, $0x8  }
0x48: {  	s29 =	sor.u32 $0x14200, s11;
	s11 =	sadd.s32 $0x19200, s11;
	s12 =	sor.u32 $0x14000, s8  }
0x49: {  	[tilespmem:s29], [sflag:s13] =	stream.indirect.gather [hbm4b:s6+s24], $0x80, s12, s24, $0xb8;
	[tilespmem:$0x1E400] =	vst v63  }
0x4a: {  	s10 =	sadd.s32 $0x5, s10;
	s8 =	sor.u32 $0x14080, s8;
	s12 =	smul.u32 @p0 $0x50, s28  }
0x4b: {  	[tilespmem:s11], [sflag:s10] =	stream.indirect.gather [spmem:s3], $0x80, s8, s24, $0xb8;
	[tilespmem:$0x1E400] =	vst v63  }
0x4c: {  	s8 =	sadd.s32 @p0 s12, s16  }
0x4d: {  	s29 =	simm.s32 @p0 $0x0;
	s11 =	sshll.u32 @p0 s4, $0x8;
	s8 =	sshrl.u32 @p0 s8, $0x3  }
0x4e: {  	s10 =	sadd.s32 @p0 $0x1, s4;
	s12 =	sor.u32 @p0 $0x14000, s11;
	s13 =	sadd.s32 @p0 s7, s8  }
0x4f: {  	[tilespmem:s12], [sflag:s10] =	stream.linear.gather @p0 [hbm4b:s13+s29], $0x50, $0x38;
	[tilespmem:$0x1E400] =	vst v63  }
0x50: {  	p1 =	slt.u32 @p0 s28, $0x2;
	s11 =	sor.u32 @p0 $0x14080, s11;
	s8 =	sadd.s32 @p0 s1, s8  }
0x51: {  	[tilespmem:s11], [sflag:s10] =	stream.linear.gather @p0 [hbm4b:s8+s29], $0x50, $0x38;
	[tilespmem:$0x1E400] =	vst v63  }
0x52: {  	p0 =	por !p0, !p1  }
.Ltmp2:
0x53: {  	_ = 	snop;
	(pc) =	sbr.rel @!p0 .LBB2_6-.Ltmp2, $1  }
0x54: {  	_ =	sdelay $0x3  }
.LBB2_5:
0x55: {  	s8 =	sadd.s32 $0x7, s4  }
0x56: {  	_ =	swait.ge [sflag:s8], $0x50  }
0x57: {  	[sflag:s8] =	ssyncset.done $0x0  }
0x58: {  	[sflag:s8] =	ssyncadd.s32 $0xFFFFFFB0  }
.LBB2_6:
0x59: {  	v1 =	vmov s4  }
0x5a: {  	v1 =	vmul.u32 $0x2800, v1  }
0x5b: {  	v12 =	vlaneseq.u32  }
0x5c: {  	v7 =	vmul.u32 $0x80, v12;
	v1 =	vbroadcast v1, $0x0;
	_ =	sdelay $0x1  }
0x5d: {  	v2 =	vor.u32 v7, v1  }
0x5e: {  	v5 =	vadd.s32 $0x1, v12;
	v3 =	vor.u32 $0x800, v7;
	v8 =	vor.u32 v2, v12  }
0x5f: {  	v13 =	vand.u32 $0x7F, v5;
	v4 =	vor.u32 $0x1000, v7;
	v3 =	vadd.s32 v3, v1  }
0x60: {  	v6 =	vor.u32 $0x1800, v7;
	v4 =	vadd.s32 v4, v1;
	v10 =	vor.u32 v3, v12  }
0x61: {  	v5 =	vadd.s32 v6, v1;
	v14 =	vor.u32 v4, v13  }
0x62: {  	v17 =	vld.idx.msk [tilespmem:v12+s20+$0x0], $0xffff;
	v16 =	vor.u32 v5, v13  }
0x63: {  	v6 =	vadd.s32 $0x2, v12;
	v18 =	vld.idx.msk [tilespmem:v8+s25+$0x0], $0xffff  }
0x64: {  	v15 =	vand.u32 $0x7F, v6;
	v20 =	vld.idx.msk [tilespmem:v8+s26+$0x0], $0xffff  }
0x65: {  	v21 =	vld.idx.msk [tilespmem:v10+s26+$0x0], $0xffff  }
0x66: {  	v30 =	vor.u32 v4, v12;
	v22 =	vld.idx.msk [tilespmem:v14+s26+$0x0], $0xffff  }
0x67: {  	v33 =	vor.u32 v3, v13;
	v23 =	vld.idx.msk [tilespmem:v16+s26+$0x0], $0xffff  }
0x68: {  	v7 =	vor.u32 $0x2000, v7;
	v25 =	vld.idx.msk [tilespmem:v10+s25+$0x0], $0xffff  }
0x69: {  	v8 =	vadd.s32 v7, v1;
	v1 =	vld.idx.msk [tilespmem:v15+s20+$0x0], $0xffff  }
0x6a: {  	v37 =	vor.u32 v5, v12;
	v16 =	vld.idx.msk [tilespmem:v16+s25+$0x0], $0xffff  }
0x6b: {  	v35 =	vld.idx.msk [tilespmem:v30+s26+$0x0], $0xffff  }
0x6c: {  	v41 =	vor.u32 v2, v13;
	v38 =	vld.idx.msk [tilespmem:v33+s25+$0x0], $0xffff  }
0x6d: {  	v14 =	vld.idx.msk [tilespmem:v14+s25+$0x0], $0xffff  }
0x6e: {  	v30 =	vld.idx.msk [tilespmem:v30+s25+$0x0], $0xffff  }
0x6f: {  	v19 =	vor.u32 v3, v15;
	v42 =	vld.idx.msk [tilespmem:v37+s26+$0x0], $0xffff  }
0x70: {  	v6 =	vor.u32 v2, v15;
	v37 =	vld.idx.msk [tilespmem:v37+s25+$0x0], $0xffff  }
0x71: {  	v9 =	vadd.s32 $0x3, v12;
	v11 =	vor.u32 v4, v15;
	v61 =	vld.idx.msk [tilespmem:v41+s26+$0x0], $0xffff  }
0x72: {  	v27 =	vand.u32 $0x7F, v9;
	v33 =	vld.idx.msk [tilespmem:v33+s26+$0x0], $0xffff  }
0x73: {  	v29 =	vor.u32 v3, v27;
	v41 =	vld.idx.msk [tilespmem:v41+s25+$0x0], $0xffff  }
0x74: {  	v26 =	vld.idx.msk [tilespmem:v19+s25+$0x0], $0xffff  }
0x75: {  	v9 =	vld.idx.msk [tilespmem:v6+s25+$0x0], $0xffff;
	v24 =	vor.u32 v8, v13  }
0x76: {  	v31 =	vld.idx.msk [tilespmem:v11+s25+$0x0], $0xffff  }
0x77: {  	v32 =	vld.idx.msk [tilespmem:v11+s26+$0x0], $0xffff;
	v36 =	vor.u32 v8, v15;
	v15 =	vor.u32 v5, v15  }
0x78: {  	v11 =	vld.idx.msk [tilespmem:v29+s25+$0x0], $0xffff  }
0x79: {  	v19 =	vld.idx.msk [tilespmem:v19+s26+$0x0], $0xffff;
	v40 =	vor.u32 v8, v12  }
0x7a: {  	v34 =	vld.idx.msk [tilespmem:v24+s26+$0x0], $0xffff  }
0x7b: {  	v43 =	vor.u32 v2, v27;
	v24 =	vld.idx.msk [tilespmem:v24+s25+$0x0], $0xffff  }
0x7c: {  	v28 =	vor.u32 v8, v27;
	v39 =	vld.idx.msk [tilespmem:v15+s26+$0x0], $0xffff  }
0x7d: {  	v18 =	vmul.f32 v20, v18;
	v15 =	vld.idx.msk [tilespmem:v15+s25+$0x0], $0xffff  }
0x7e: {  	v21 =	vmul.f32 v21, v25;
	v16 =	vmul.f32 v23, v16;
	v20 =	vld.idx.msk [tilespmem:v40+s26+$0x0], $0xffff  }
0x7f: {  	v45 =	vmul.f32 v22, v14;
	v37 =	vmul.f32 v42, v37;
	v40 =	vld.idx.msk [tilespmem:v40+s25+$0x0], $0xffff  }
0x80: {  	v25 =	vor.u32 v4, v27;
	v23 =	vld.idx.msk [tilespmem:v43+s25+$0x0], $0xffff;
	v31 =	vmul.f32 v32, v31;
	v60 =	vmul.f32 v18, v17  }
0x81: {  	v7 =	vld.idx.msk [tilespmem:v28+s26+$0x0], $0xffff;
	v62 =	vmul.f32 v21, v17;
	v18 =	vmul.f32 v19, v26  }
0x82: {  	v12 =	vadd.s32 $0x4, v12;
	v31 =	vmul.f32 v31, v1;
	v44 =	vmul.f32 v34, v24;
	v24 =	vld.idx.msk [tilespmem:v13+s20+$0x0], $0xffff  }
0x83: {  	v12 =	vand.u32 $0x7F, v12;
	v10 =	vld.idx.msk [tilespmem:v36+s25+$0x0], $0xffff;
	v13 =	vmul.f32 v39, v15;
	v15 =	vmul.f32 v35, v30  }
0x84: {  	v14 =	vimm.f32 $0.0e+00;
	v26 =	vld.idx.msk [tilespmem:v43+s26+$0x0], $0xffff;
	v18 =	vmul.f32 v18, v1;
	v20 =	vmul.f32 v20, v40  }
0x85: {  	v21 =	vld.idx.msk [tilespmem:v25+s26+$0x0], $0xffff;
	v30 =	vor.u32 v5, v27;
	v34 =	vmul.f32 v33, v38;
	v15 =	vmul.f32 v15, v17  }
0x86: {  	v22 =	vadd.f32 v60, v14;
	v33 =	vld.idx.msk [tilespmem:v29+s26+$0x0], $0xffff;
	v35 =	vmul.f32 v61, v41;
	v13 =	vmul.f32 v13, v1  }
0x87: {  	v20 =	vmul.f32 v20, v17;
	v19 =	vadd.f32 v15, v14;
	v15 =	vld.idx.msk [tilespmem:v27+s20+$0x0], $0xffff;
	v63 =	vmul.f32 v45, v24  }
0x88: {  	v32 =	vadd.f32 v62, v14;
	v17 =	vmul.f32 v37, v17;
	v27 =	vld.idx.msk [tilespmem:v28+s25+$0x0], $0xffff;
	v16 =	vmul.f32 v16, v24  }
0x89: {  	s29 =	sadd.s32 $0x1, s28;
	s8 =	simm.s32 $0x1F;
	v28 =	vld.idx.msk [tilespmem:v36+s26+$0x0], $0xffff;
	v29 =	vadd.f32 v63, v19;
	v19 =	vadd.f32 v20, v14;
	v20 =	vmul.f32 v44, v24  }
.LBB2_7:
0x8a: {  	v36 =	vor.u32 v2, v12;
	v37 =	vadd.s32 $0x1, v12;
	p0 =	sne.s32 s8, $0x1;
	s8 =	sadd.s32 $0xFFFFFFFF, s8;
	v35 =	vmul.f32 v35, v24;
	v38 =	vld.idx.msk [tilespmem:v30+s25+$0x0], $0xffff  }
0x8b: {  	v39 =	vadd.s32 $0x2, v12;
	v37 =	vand.u32 $0x7F, v37;
	v14 =	vadd.f32 v17, v14;
	v30 =	vld.idx.msk [tilespmem:v30+s26+$0x0], $0xffff  }
0x8c: {  	v40 =	vor.u32 v3, v12;
	v24 =	vmul.f32 v34, v24;
	v39 =	vand.u32 $0x7F, v39;
	v25 =	vld.idx.msk [tilespmem:v25+s25+$0x0], $0xffff  }
0x8d: {  	v34 =	vor.u32 v4, v37;
	v33 =	vmul.f32 v33, v11;
	v41 =	vld.idx.msk [tilespmem:v6+s26+$0x0], $0xffff;
	v6 =	vor.u32 v2, v39  }
0x8e: {  	v42 =	vor.u32 v4, v12;
	v43 =	vor.u32 v5, v37;
	v24 =	vadd.f32 v24, v32;
	v17 =	vld.idx.msk [tilespmem:v12+s20+$0x0], $0xffff  }
0x8f: {  	v44 =	vor.u32 v3, v39;
	v11 =	vadd.s32 $0x3, v12;
	v7 =	vmul.f32 v7, v27;
	v32 =	vld.idx.msk [tilespmem:v36+s25+$0x0], $0xffff  }
0x90: {  	v45 =	vor.u32 v4, v39;
	v10 =	vmul.f32 v28, v10;
	v27 =	vld.idx.msk [tilespmem:v36+s26+$0x0], $0xffff;
	v36 =	vor.u32 v5, v12  }
0x91: {  	v46 =	vor.u32 v8, v37;
	v47 =	vand.u32 $0x7F, v11;
	v11 =	vadd.f32 v31, v29;
	v28 =	vld.idx.msk [tilespmem:v40+s26+$0x0], $0xffff  }
0x92: {  	v29 =	vor.u32 v8, v12;
	v48 =	vor.u32 v3, v47;
	v30 =	vmul.f32 v30, v38;
	v31 =	vld.idx.msk [tilespmem:v34+s26+$0x0], $0xffff  }
0x93: {  	v49 =	vor.u32 v8, v47;
	v21 =	vmul.f32 v21, v25;
	v25 =	vmul.f32 v7, v15;
	v38 =	vld.idx.msk [tilespmem:v43+s26+$0x0], $0xffff  }
0x94: {  	v50 =	vor.u32 v2, v37;
	v10 =	vmul.f32 v10, v1;
	v7 =	vmul.f32 v26, v23;
	v51 =	vld.idx.msk [tilespmem:v44+s25+$0x0], $0xffff  }
0x95: {  	v14 =	vadd.f32 v16, v14;
	v16 =	vmul.f32 v21, v15;
	v21 =	vmul.f32 v30, v15;
	v23 =	vld.idx.msk [tilespmem:v6+s25+$0x0], $0xffff  }
0x96: {  	v19 =	vadd.f32 v20, v19;
	v26 =	vor.u32 v3, v37;
	v30 =	vor.u32 v5, v39;
	v52 =	vld.idx.msk [tilespmem:v45+s25+$0x0], $0xffff  }
0x97: {  	v13 =	vadd.f32 v13, v14;
	v16 =	vadd.f32 v16, v11;
	v20 =	vld.idx.msk [tilespmem:v45+s26+$0x0], $0xffff;
	v45 =	vmul.f32 v7, v15  }
0x98: {  	v53 =	vor.u32 v8, v39;
	v54 =	vmul.f32 v41, v9;
	v10 =	vadd.f32 v10, v19;
	v7 =	vld.idx.msk [tilespmem:v49+s26+$0x0], $0xffff  }
0x99: {  	v14 =	vadd.f32 v18, v24;
	v19 =	vadd.f32 v35, v22;
	v15 =	vmul.f32 v33, v15;
	v11 =	vld.idx.msk [tilespmem:v48+s25+$0x0], $0xffff  }
0x9a: {  	v24 =	vmul.f32 v54, v1;
	v41 =	vadd.f32 v25, v10;
	v18 =	vmul.f32 v27, v32;
	v22 =	vld.idx.msk [tilespmem:v44+s26+$0x0], $0xffff  }
0x9b: {  	v27 =	vadd.f32 v15, v14;
	v14 =	vadd.f32 v21, v13;
	v9 =	vmov v23;
	v25 =	vld.idx.msk [tilespmem:v40+s25+$0x0], $0xffff  }
0x9c: {  	v15 =	vmul.f32 v18, v17;
	v13 =	vadd.f32 v24, v19;
	v1 =	vld.idx.msk [tilespmem:v39+s20+$0x0], $0xffff  }
0x9d: {  	v18 =	vld.idx.msk [tilespmem:v46+s26+$0x0], $0xffff  }
0x9e: {  	v19 =	vadd.f32 v45, v13;
	v10 =	vld.idx.msk [tilespmem:v53+s25+$0x0], $0xffff  }
0x9f: {  	v13 =	vld.idx.msk [tilespmem:v46+s25+$0x0], $0xffff  }
0xa0: {  	v21 =	vld.idx.msk [tilespmem:v43+s25+$0x0], $0xffff  }
0xa1: {  	v23 =	vmul.f32 v28, v25;
	v25 =	vld.idx.msk [tilespmem:v42+s26+$0x0], $0xffff  }
0xa2: {  	v28 =	vld.idx.msk [tilespmem:v26+s25+$0x0], $0xffff  }
0xa3: {  	v32 =	vmul.f32 v23, v17;
	v23 =	vld.idx.msk [tilespmem:v30+s26+$0x0], $0xffff  }
0xa4: {  	v24 =	vld.idx.msk [tilespmem:v30+s25+$0x0], $0xffff  }
0xa5: {  	v30 =	vld.idx.msk [tilespmem:v34+s25+$0x0], $0xffff  }
0xa6: {  	v21 =	vmul.f32 v38, v21;
	v33 =	vld.idx.msk [tilespmem:v42+s25+$0x0], $0xffff  }
0xa7: {  	v34 =	vld.idx.msk [tilespmem:v36+s26+$0x0], $0xffff  }
0xa8: {  	v35 =	vld.idx.msk [tilespmem:v36+s25+$0x0], $0xffff;
	v36 =	vmul.f32 v18, v13  }
0xa9: {  	v18 =	vld.idx.msk [tilespmem:v29+s26+$0x0], $0xffff  }
0xaa: {  	v38 =	vor.u32 v2, v47;
	v13 =	vmul.f32 v23, v24;
	v29 =	vld.idx.msk [tilespmem:v29+s25+$0x0], $0xffff  }
0xab: {  	v31 =	vmul.f32 v31, v30;
	v24 =	vld.idx.msk [tilespmem:v37+s20+$0x0], $0xffff  }
0xac: {  	v23 =	vmul.f32 v25, v33;
	v13 =	vmul.f32 v13, v1;
	v25 =	vor.u32 v4, v47;
	v37 =	vld.idx.msk [tilespmem:v50+s26+$0x0], $0xffff  }
0xad: {  	v33 =	vld.idx.msk [tilespmem:v26+s26+$0x0], $0xffff  }
0xae: {  	v26 =	vmul.f32 v23, v17;
	v39 =	vmul.f32 v34, v35;
	v35 =	vld.idx.msk [tilespmem:v50+s25+$0x0], $0xffff  }
0xaf: {  	v12 =	vadd.s32 $0x4, v12;
	v22 =	vmul.f32 v22, v51;
	v23 =	vld.idx.msk [tilespmem:v38+s25+$0x0], $0xffff  }
0xb0: {  	v12 =	vand.u32 $0x7F, v12;
	v40 =	vadd.f32 v26, v16;
	v29 =	vmul.f32 v18, v29;
	v26 =	vld.idx.msk [tilespmem:v38+s26+$0x0], $0xffff  }
.Ltmp3:
0xb1: {  	v30 =	vor.u32 v5, v47;
	v18 =	vmul.f32 v22, v1;
	v16 =	vmul.f32 v21, v24;
	v21 =	vld.idx.msk [tilespmem:v25+s26+$0x0], $0xffff;
	(pc) =	sbr.rel @p0 .LBB2_7-.Ltmp3, $4  }
0xb2: {  	v20 =	vmul.f32 v20, v52;
	v22 =	vadd.f32 v15, v19;
	v19 =	vmul.f32 v31, v24;
	v15 =	vld.idx.msk [tilespmem:v47+s20+$0x0], $0xffff  }
0xb3: {  	v32 =	vadd.f32 v32, v27;
	v38 =	vmul.f32 v29, v17;
	v34 =	vmul.f32 v33, v28;
	v33 =	vld.idx.msk [tilespmem:v48+s26+$0x0], $0xffff  }
0xb4: {  	v31 =	vmul.f32 v20, v1;
	v29 =	vadd.f32 v19, v40;
	v35 =	vmul.f32 v37, v35;
	v27 =	vld.idx.msk [tilespmem:v49+s25+$0x0], $0xffff  }
0xb5: {  	v20 =	vmul.f32 v36, v24;
	v17 =	vmul.f32 v39, v17;
	v19 =	vadd.f32 v38, v41;
	v28 =	vld.idx.msk [tilespmem:v53+s26+$0x0], $0xffff  }
0xb6: {  	_ =	sdelay $0x3  }
0xb7: {  	v2 =	vld.idx.msk [tilespmem:v6+s26+$0x0], $0xffff;
	_ =	sdelay $0x4  }
0xb8: {  	v3 =	vmul.f32 v35, v24;
	v2 =	vmul.f32 v2, v9;
	_ =	sdelay $0x1  }
0xb9: {  	v4 =	vmul.f32 v26, v23;
	v3 =	vadd.f32 v3, v22;
	v2 =	vmul.f32 v2, v1  }
0xba: {  	v5 =	vld.idx.msk [tilespmem:v0+s20+$0x0], $0xffff  }
0xbb: {  	v4 =	vmul.f32 v4, v15;
	v2 =	vadd.f32 v2, v3;
	_ =	sdelay $0x1  }
0xbc: {  	v2 =	vadd.f32 v4, v2;
	_ =	sdelay $0x1  }
0xbd: {  	v2 =	vadd.f32 v5, v2;
	_ =	sdelay $0x1  }
0xbe: {  	v2 =	vsub.f32 $0.0e+00, v2;
	_ =	sdelay $0x1  }
0xbf: {  	v2 =	vmul.f32 $1.442695020e+00, v2  }
0xc0: {  	v3 =	vmul.f32 v34, v24  }
0xc1: {  	(erf) = vpow2.f32 v2  }
0xc2: {  	v3 =	vadd.f32 v3, v32;
	v2 =	vmul.f32 v33, v11;
	_ =	sdelay $0x1  }
0xc3: {  	v3 =	vadd.f32 v18, v3;
	v2 =	vmul.f32 v2, v15;
	_ =	sdelay $0x1  }
0xc4: {  	v2 =	vadd.f32 v2, v3;
	_ =	sdelay $0x1  }
0xc5: {  	v2 =	vadd.f32 v5, v2;
	_ =	sdelay $0x1  }
0xc6: {  	v3 =	vld.idx.msk [tilespmem:v25+s25+$0x0], $0xffff;
	v2 =	vsub.f32 $0.0e+00, v2;
	v56 =	vpop (erf)  }
0xc7: {  	v4 =	vadd.f32 $1.000000000e+00, v56  }
0xc8: {  	v2 =	vmul.f32 $1.442695020e+00, v2  }
0xc9: {  	(erf) = vrcp.f32 v4  }
0xca: {  	(erf) = vpow2.f32 v2  }
0xcb: {  	v2 =	vmul.f32 v21, v3;
	_ =	sdelay $0x1  }
0xcc: {  	v3 =	vadd.f32 v31, v29;
	v2 =	vmul.f32 v2, v15;
	_ =	sdelay $0x1  }
0xcd: {  	v2 =	vadd.f32 v2, v3;
	_ =	sdelay $0x1  }
0xce: {  	v2 =	vadd.f32 v5, v2  }
0xcf: {  	v57 =	vld.idx.msk [tilespmem:v30+s26+$0x0], $0xffff;
	v4 =	vpop (erf)  }
0xd0: {  	v3 =	vld.idx.msk [tilespmem:v30+s25+$0x0], $0xffff;
	v2 =	vsub.f32 $0.0e+00, v2;
	v8 =	vpop (erf)  }
0xd1: {  	v8 =	vadd.f32 $1.000000000e+00, v8  }
0xd2: {  	v2 =	vmul.f32 $1.442695020e+00, v2  }
0xd3: {  	v58 =	vadd.f32 v17, v14;
	(erf) = vrcp.f32 v8  }
0xd4: {  	(erf) = vpow2.f32 v2  }
0xd5: {  	v2 =	vmul.f32 v57, v3;
	v3 =	vadd.f32 v16, v58;
	_ =	sdelay $0x1  }
0xd6: {  	v2 =	vmul.f32 v2, v15;
	v3 =	vadd.f32 v13, v3;
	_ =	sdelay $0x1  }
0xd7: {  	v2 =	vadd.f32 v2, v3;
	_ =	sdelay $0x1  }
0xd8: {  	v2 =	vadd.f32 v5, v2  }
0xd9: {  	v3 =	vpop (erf)  }
0xda: {  	v2 =	vsub.f32 $0.0e+00, v2;
	v59 =	vpop (erf)  }
0xdb: {  	v6 =	vadd.f32 $1.000000000e+00, v59  }
0xdc: {  	v2 =	vmul.f32 $1.442695020e+00, v2  }
0xdd: {  	v60 =	vmul.f32 v28, v10;
	(erf) = vrcp.f32 v6  }
0xde: {  	(erf) = vpow2.f32 v2  }
0xdf: {  	v61 =	vadd.f32 v20, v19;
	v1 =	vmul.f32 v60, v1;
	v2 =	vmul.f32 v7, v27;
	_ =	sdelay $0x1  }
0xe0: {  	v1 =	vadd.f32 v1, v61;
	v2 =	vmul.f32 v2, v15;
	_ =	sdelay $0x1  }
0xe1: {  	v1 =	vadd.f32 v2, v1;
	_ =	sdelay $0x1  }
0xe2: {  	v1 =	vadd.f32 v5, v1  }
0xe3: {  	v2 =	vpop (erf)  }
0xe4: {  	v1 =	vsub.f32 $0.0e+00, v1;
	v62 =	vpop (erf)  }
0xe5: {  	v5 =	vadd.f32 $1.000000000e+00, v62  }
0xe6: {  	v1 =	vmul.f32 $1.442695020e+00, v1  }
0xe7: {  	(erf) = vrcp.f32 v5  }
0xe8: {  	(erf) = vpow2.f32 v1;
	_ =	sdelay $0x7  }
0xe9: {  	v1 =	vpop (erf)  }
0xea: {  	v63 =	vpop (erf)  }
0xeb: {  	v5 =	vadd.f32 $1.000000000e+00, v63;
	_ =	sdelay $0x1  }
0xec: {  	(erf) = vrcp.f32 v5;
	_ =	sdelay $0x4  }
0xed: {  	s8 =	sshll.u32 s4, $0x7  }
0xee: {  	s10 =	smul.u32 $0x50, s28;
	p0 =	sne.s32 s29, $0x7D;
	[tilespmem:s8+$0x1E300] =	vst v4  }
.Ltmp4:
0xef: {  	[tilespmem:s8+$0x1E310] =	vst v3;
	(pc) =	sbr.rel @p0 .LBB2_2-.Ltmp4, $4  }
0xf0: {  	s10 =	sadd.s32 s9, s10;
	[tilespmem:s8+$0x1E320] =	vst v2  }
0xf1: {  	s12 =	sadd.s32 $0x7, s4;
	s10 =	sshrl.u32 s10, $0x3;
	[tilespmem:s8+$0x1E330] =	vst v1;
	v1 =	vpop (erf)  }
0xf2: {  	s28 =	smov.u32 s29;
	s11 =	sor.u32 $0x1E300, s8;
	s13 =	sadd.s32 s2, s10;
	[tilespmem:s8+$0x1E340] =	vst v1  }
0xf3: {  	[hbm4b:s13+s5] =	stream.linear.scatter [tilespmem:s11], [sflag:s12], $0x50, $0x38;
	[tilespmem:$0x1E400] =	vst v63  }
0xf4: {  	s0 =	sadd.s32 $0x1, s0  }
0xf5: {  	_ =	swait.ge [sflag:s30], $0x50;
	p0 =	sne.s32 s0, s17  }
.Ltmp5:
0xf6: {  	[sflag:s30] =	ssyncset.done $0x0;
	(pc) =	sbr.rel @p0 .LBB2_1-.Ltmp5, $4  }
0xf7: {  	[sflag:s30] =	ssyncadd.s32 $0xFFFFFFB0  }
0xf8: {  	_ =	swait.ge [sflag:s31], $0x50  }
0xf9: {  	[sflag:s31] =	ssyncset.done $0x0  }
0xfa: {  	[sflag:s31] =	ssyncadd.s32 $0xFFFFFFB0  }
0xfb: {  	_ =	sfence.sel $0x180000  }
0xfc: {  	[bflag:$0x0] =	sbarrier.arrive $0xFFFF  }
0xfd: {  	_ =	strace $0x90000047  }
0xfe: {  	s0 =	stileid.u32;
	[bflag:$0x2] =	sbarrier.arrive $0xFFFF  }
0xff: {  	p0 =	sne.s32 s0, $0x0;
	s0 =	rddreg [dreg:$0x3]  }
0x100: {  	s0 =	sadd.s32 @!p0 $0x100000, s0  }
0x101: {  	[sflag:s0] =	ssyncadd.tile.s32 @!p0 $0x1;
	_ =	shalt  }
.Lfunc_end2:
_tile_overlayer_lowered:
.L_overlay_start_2:
0x102: {  	(tag) =	ssettag $0x2  }
0x103: {  	s0 =	rddreg [dreg:$0x0];
	s2 =	stileid.u32  }
0x104: {  	s1 =	rddreg [dreg:$0x1];
	p0 =	sne.s32 s2, $0x0  }
0x105: {  	s3 =	rddreg [dreg:$0x2];
	[bflag:$0x3] =	sbarrier.arrive $0xFFFF;
	s2 =	simm.s32 @!p0 $0x1C09  }
0x106: {  	[timem:s3], [sflag:s2] =	dma.local @!p0 [hbm:s0], s1  }
0x107: {  	s0 =	simm.s32 @!p0 $0x9  }
0x108: {  	_ =	swait.ge @!p0 [sflag:s0], s1  }
0x109: {  	s1 =	ssub.s32 @!p0 $0x0, s1;
	[sflag:s0] =	ssyncset.done @!p0 $0x0  }
0x10a: {  	[sflag:s0] =	ssyncadd.s32 @!p0 s1  }
0x10b: {  	[bflag:$0x3] =	sbarrier.arrive $0xFFFF  }
0x10c: {  	_ =	shalt  }

</sc_bundles>
